<compile_context>
chip_gen: v7x
topology: tpu7x:2x2x1
jax: 0.10.2.dev20260603
libtpu: 0.0.44.dev20260713+nightly
codegen_flags: <defaults>
</compile_context>

<pallas_src>
import functools

import jax
import jax.numpy as jnp
from jax import lax
from jax.experimental import pallas as pl
from jax.experimental.pallas import tpu as pltpu
from jax.experimental.pallas import tpu_sc as plsc

NUM_CLASS = 100000
FEAT_DIM = 128
BATCH = 16384

NUM_CORES = 2
NUM_SUBCORES = 16
LANES = 16
NUM_WORKERS = NUM_CORES * NUM_SUBCORES
ROWS_PER_WORKER = BATCH // NUM_WORKERS
CHUNK = 128
NUM_CHUNKS = ROWS_PER_WORKER // CHUNK
GROUPS_PER_CHUNK = CHUNK // LANES
VECS_PER_ROW = FEAT_DIM // LANES
SIDE = 128


def _tree_sum(vals):
    n = len(vals)
    while n > 1:
        vals = [vals[i] + vals[i + 1] for i in range(0, n - 1, 2)] + (
            [vals[-1]] if n % 2 else [])
        n = len(vals)
    return vals[0]


def _dot_body(x_hbm, label_hbm, centers_hbm, d_hbm, b_hbm, idx_v,
              x_v0, x_v1, c_v0, c_v1, d_stage, b_stage,
              sem_x0, sem_x1, sem_c0, sem_c1):
    wid = lax.axis_index("s") * NUM_CORES + lax.axis_index("c")
    base = wid * ROWS_PER_WORKER
    pltpu.sync_copy(label_hbm.at[pl.ds(base, ROWS_PER_WORKER)], idx_v)
    lane_iota = lax.iota(jnp.int32, LANES)
    zero = jnp.zeros((LANES,), jnp.float32)

    x_bufs = (x_v0, x_v1)
    c_bufs = (c_v0, c_v1)
    x_sems = (sem_x0, sem_x1)
    c_sems = (sem_c0, sem_c1)

    def copies(k, b):
        dx = pltpu.make_async_copy(
            x_hbm.at[pl.ds((base + k * CHUNK) * FEAT_DIM,
                           CHUNK * FEAT_DIM)], x_bufs[b], x_sems[b])
        dc = pltpu.make_async_copy(
            centers_hbm.at[idx_v.at[pl.ds(k * CHUNK, CHUNK)]],
            c_bufs[b], c_sems[b])
        return dx, dc

    def compute(chunk, x_v, c_v):
        def group_body(g, _):
            @plsc.parallel_loop(0, LANES, step=1, unroll=2,
                                carry=(zero, zero))
            def rowloop(r, carry):
                dvec, bvec = carry
                row = g * LANES + r
                rb = row * FEAT_DIM
                xs = [x_v[pl.ds(rb + k * LANES, LANES)]
                      for k in range(VECS_PER_ROW)]
                cs = [c_v[row, pl.ds(k * LANES, LANES)]
                      for k in range(VECS_PER_ROW)]
                d = jnp.sum(_tree_sum([xs[k] * cs[k]
                                       for k in range(VECS_PER_ROW)]))
                c = jnp.sum(_tree_sum([cs[k] * cs[k]
                                       for k in range(VECS_PER_ROW)]))
                m = lane_iota == r
                return jnp.where(m, d, dvec), jnp.where(m, c, bvec)

            dvec, bvec = rowloop
            off = (chunk * GROUPS_PER_CHUNK + g) * LANES
            d_stage[pl.ds(off, LANES)] = dvec
            b_stage[pl.ds(off, LANES)] = bvec
            return 0

        lax.fori_loop(0, GROUPS_PER_CHUNK, group_body, 0)

    dx, dc = copies(0, 0)
    dx.start()
    dc.start()
    for chunk in range(NUM_CHUNKS):
        b = chunk % 2
        dx, dc = copies(chunk, b)
        dx.wait()
        dc.wait()
        if chunk + 1 < NUM_CHUNKS:
            dx, dc = copies(chunk + 1, 1 - b)
            dx.start()
            dc.start()
        compute(chunk, x_bufs[b], c_bufs[b])

    pltpu.sync_copy(d_stage, d_hbm.at[pl.ds(base, ROWS_PER_WORKER)])
    pltpu.sync_copy(b_stage, b_hbm.at[pl.ds(base, ROWS_PER_WORKER)])


@functools.partial(
    pl.kernel,
    out_type=(jax.ShapeDtypeStruct((BATCH,), jnp.float32),
              jax.ShapeDtypeStruct((BATCH,), jnp.float32)),
    mesh=plsc.VectorSubcoreMesh(core_axis_name="c", subcore_axis_name="s"),
    compiler_params=pltpu.CompilerParams(needs_layout_passes=False),
    scratch_types=[
        pltpu.VMEM((ROWS_PER_WORKER,), jnp.int32),
        pltpu.VMEM((CHUNK * FEAT_DIM,), jnp.float32),
        pltpu.VMEM((CHUNK * FEAT_DIM,), jnp.float32),
        pltpu.VMEM((CHUNK, FEAT_DIM), jnp.float32),
        pltpu.VMEM((CHUNK, FEAT_DIM), jnp.float32),
        pltpu.VMEM((ROWS_PER_WORKER,), jnp.float32),
        pltpu.VMEM((ROWS_PER_WORKER,), jnp.float32),
        pltpu.SemaphoreType.DMA,
        pltpu.SemaphoreType.DMA,
        pltpu.SemaphoreType.DMA,
        pltpu.SemaphoreType.DMA,
    ],
)
def _dot_and_cnorm(x_hbm, label_hbm, centers_hbm, d_hbm, b_hbm, idx_v,
                   x_v0, x_v1, c_v0, c_v1, d_stage, b_stage,
                   sem_x0, sem_x1, sem_c0, sem_c1):
    _dot_body(x_hbm, label_hbm, centers_hbm, d_hbm, b_hbm, idx_v,
              x_v0, x_v1, c_v0, c_v1, d_stage, b_stage,
              sem_x0, sem_x1, sem_c0, sem_c1)


def _xnorm_tc_kernel(x_ref, out_ref):
    x = x_ref[0]
    out_ref[0] = jnp.sum(x * x, axis=1, keepdims=True).T


_xnorm_tc = pl.pallas_call(
    _xnorm_tc_kernel,
    grid=(8,),
    in_specs=[pl.BlockSpec((1, BATCH // 8, FEAT_DIM),
                           lambda i: (i, 0, 0))],
    out_specs=pl.BlockSpec((1, 1, BATCH // 8), lambda i: (i, 0, 0)),
    out_shape=jax.ShapeDtypeStruct((8, 1, BATCH // 8), jnp.float32),
)


def _loss_tc_kernel(d_ref, a_ref, b_ref, out_ref):
    d = d_ref[...]
    a = a_ref[...]
    b = b_ref[...]
    eps = jnp.float32(1e-12)
    denom = (jnp.maximum(jnp.sqrt(a), eps)
             * jnp.maximum(jnp.sqrt(b), eps))
    cos = jnp.clip(d / denom, -1.0, 1.0)
    loss = jnp.float32(1.0) - jnp.sum(cos) / jnp.float32(BATCH)
    out_ref[...] = jnp.broadcast_to(loss, (1, 1))


_loss_tc = pl.pallas_call(
    _loss_tc_kernel,
    out_shape=jax.ShapeDtypeStruct((1, 1), jnp.float32),
)


def kernel(x, label, centers):
    d, b = _dot_and_cnorm(x.reshape(-1), label.astype(jnp.int32), centers)
    a = _xnorm_tc(x.reshape(8, BATCH // 8, FEAT_DIM)).reshape(-1)
    loss = _loss_tc(d.reshape(SIDE, SIDE), a.reshape(SIDE, SIDE),
                    b.reshape(SIDE, SIDE))
    return loss[0, 0]

# --- scband reference (transcript-rebuilt; emitter-appended) ---
"""Pipeline reference for scband-angle-center-loss-15333033246817 (READ-ONLY COPY).

The authoritative reference and input builder live on the scoring server;
editing this copy changes nothing except your own understanding.
"""

import jax, jax.numpy as jnp
import numpy as np

NUM_CLASS = 100000
FEAT_DIM = 128
BATCH = 16384


def _l2_normalize(v, eps=1e-12):
    # matches torch.nn.functional.normalize(p=2, dim=1): v / max(||v||, eps)
    n = jnp.linalg.norm(v, ord=2, axis=1, keepdims=True)
    return v / jnp.maximum(n, eps)


def setup_inputs(seed: int = 0) -> dict:
    key = jax.random.key(seed)
    k1, k2, k3 = jax.random.split(key, 3)
    x = jax.random.normal(k1, (BATCH, FEAT_DIM), dtype=jnp.float32)
    label = jax.random.randint(k2, (BATCH,), 0, NUM_CLASS, dtype=jnp.int32)
    # learned parameter: class centers, as in nn.Parameter(torch.randn(num_class, feat_dim))
    centers = jax.random.normal(k3, (NUM_CLASS, FEAT_DIM), dtype=jnp.float32)
    return {"x": x, "label": label, "centers": centers}


def reference(x, label, centers):
    normed_centers = _l2_normalize(centers)
    normed_data = _l2_normalize(x)
    centers1 = jnp.take(normed_centers, label, axis=0)
    cos = jnp.sum(normed_data * centers1, axis=1)
    cos = jnp.clip(cos, -1.0, 1.0)
    loss = 1.0 - jnp.mean(cos)
    return loss

if __name__ == "__main__":
    import jax
    _d = setup_inputs()
    print(jax.jit(kernel)(*tuple(_d.values())))

</pallas_src>

<mosaic_0001>
#map = affine_map<(d0, d1) -> (0)>
#map1 = affine_map<(d0, d1) -> (0, 0)>
module attributes {stable_mosaic.version = 14 : i64} {
  func.func @_dot_and_cnorm(%arg0: i32, %arg1: i32, %arg2: memref<2097152xf32, #tpu.memory_space<hbm>>, %arg3: memref<16384xi32, #tpu.memory_space<hbm>>, %arg4: memref<100000x128xf32, #tpu.memory_space<hbm>>, %arg5: memref<16384xf32, #tpu.memory_space<hbm>>, %arg6: memref<16384xf32, #tpu.memory_space<hbm>>, %arg7: memref<512xi32, #tpu.memory_space<vmem>>, %arg8: memref<16384xf32, #tpu.memory_space<vmem>>, %arg9: memref<16384xf32, #tpu.memory_space<vmem>>, %arg10: memref<128x128xf32, #tpu.memory_space<vmem>>, %arg11: memref<128x128xf32, #tpu.memory_space<vmem>>, %arg12: memref<512xf32, #tpu.memory_space<vmem>>, %arg13: memref<512xf32, #tpu.memory_space<vmem>>, %arg14: memref<!tpu.dma_semaphore, #tpu.memory_space<semaphore_mem>>, %arg15: memref<!tpu.dma_semaphore, #tpu.memory_space<semaphore_mem>>, %arg16: memref<!tpu.dma_semaphore, #tpu.memory_space<semaphore_mem>>, %arg17: memref<!tpu.dma_semaphore, #tpu.memory_space<semaphore_mem>>) attributes {dimension_semantics = [#tpu.dimension_semantics<core_parallel>, #tpu.dimension_semantics<subcore_parallel>], iteration_bounds = array<i64: 2, 16>, scalar_prefetch = 0 : i64, scratch_operands = 11 : i64, tpu.core_type = #tpu.core_type<sc_vector_subcore>, window_params = [{transform_indices = #map}, {transform_indices = #map}, {transform_indices = #map1}, {transform_indices = #map}, {transform_indices = #map}]} {
    %mul3A = arith.constant 2 : i32
    %mul3A_0 = arith.muli %arg1, %mul3A : i32
    %add3A = arith.addi %mul3A_0, %arg0 : i32
    %mul3A_1 = arith.constant 512 : i32
    %mul3A_2 = arith.muli %add3A, %mul3A_1 : i32
    "tpu.region"() ({
      %run_scoped3A = tpu.sem_alloc : memref<!tpu.dma_semaphore, #tpu.memory_space<semaphore_mem>>
      %dma_start3A_117 = tpu.memref_slice %arg3[%mul3A_2] : memref<16384xi32, #tpu.memory_space<hbm>> -> memref<512xi32, #tpu.memory_space<hbm>>
      %dma_start3A_118 = tpu.memref_slice %arg3[%mul3A_2] : memref<16384xi32, #tpu.memory_space<hbm>> -> memref<512xi32, #tpu.memory_space<hbm>>
      tpu.enqueue_dma source(%dma_start3A_118 : memref<512xi32, #tpu.memory_space<hbm>>) target(%arg7 : memref<512xi32, #tpu.memory_space<vmem>>) target_semaphore(%run_scoped3A : memref<!tpu.dma_semaphore, #tpu.memory_space<semaphore_mem>>)
      %dma_wait3A_119 = tpu.memref_slice %arg3[%mul3A_2] : memref<16384xi32, #tpu.memory_space<hbm>> -> memref<512xi32, #tpu.memory_space<hbm>>
      %dma_wait3A_120 = tpu.memref_slice %arg3[%mul3A_2] : memref<16384xi32, #tpu.memory_space<hbm>> -> memref<512xi32, #tpu.memory_space<hbm>>
      tpu.wait_dma2 semaphore(%run_scoped3A : memref<!tpu.dma_semaphore, #tpu.memory_space<semaphore_mem>>) src(%dma_wait3A_120 : memref<512xi32, #tpu.memory_space<hbm>>) dst(%arg7 : memref<512xi32, #tpu.memory_space<vmem>>)
      tpu.yield
    }) : () -> ()
    %iota3A = tpu.iota {dimensions = array<i32: 0>} : vector<16xi32>
    %broadcast_in_dim3A = arith.constant 0.000000e+00 : f32
    %broadcast_in_dim3A_3 = vector.broadcast %broadcast_in_dim3A : f32 to vector<16xf32>
    %add3A_4 = arith.constant 0 : i32
    %add3A_5 = arith.addi %mul3A_2, %add3A_4 : i32
    %mul3A_6 = arith.constant 128 : i32
    %mul3A_7 = arith.muli %add3A_5, %mul3A_6 : i32
    %dma_start3A = tpu.memref_slice %arg2[%mul3A_7] : memref<2097152xf32, #tpu.memory_space<hbm>> -> memref<16384xf32, #tpu.memory_space<hbm>>
    %dma_start3A_8 = tpu.memref_slice %arg2[%mul3A_7] : memref<2097152xf32, #tpu.memory_space<hbm>> -> memref<16384xf32, #tpu.memory_space<hbm>>
    tpu.enqueue_dma source(%dma_start3A_8 : memref<16384xf32, #tpu.memory_space<hbm>>) target(%arg8 : memref<16384xf32, #tpu.memory_space<vmem>>) target_semaphore(%arg14 : memref<!tpu.dma_semaphore, #tpu.memory_space<semaphore_mem>>)
    %dma_start3A_9 = arith.constant 0 : i32
    %dma_start3A_10 = tpu.memref_slice %arg7[%dma_start3A_9] : memref<512xi32, #tpu.memory_space<vmem>> -> memref<128xi32, #tpu.memory_space<vmem>>
    %dma_start3A_11 = arith.constant 0 : i32
    %dma_start3A_12 = arith.constant 0 : i32
    %dma_start3A_13 = tpu.memref_slice %arg4[%dma_start3A_11, %dma_start3A_12] : memref<100000x128xf32, #tpu.memory_space<hbm>> -> memref<100000x128xf32, #tpu.memory_space<hbm>>
    tpu.enqueue_indirect_dma source(%dma_start3A_13 : memref<100000x128xf32, #tpu.memory_space<hbm>>) target(%arg10 : memref<128x128xf32, #tpu.memory_space<vmem>>) offsets(%dma_start3A_10 : memref<128xi32, #tpu.memory_space<vmem>>) semaphore(%arg16 : memref<!tpu.dma_semaphore, #tpu.memory_space<semaphore_mem>>)
    %add3A_14 = arith.constant 0 : i32
    %add3A_15 = arith.addi %mul3A_2, %add3A_14 : i32
    %mul3A_16 = arith.constant 128 : i32
    %mul3A_17 = arith.muli %add3A_15, %mul3A_16 : i32
    %dma_wait3A = tpu.memref_slice %arg2[%mul3A_17] : memref<2097152xf32, #tpu.memory_space<hbm>> -> memref<16384xf32, #tpu.memory_space<hbm>>
    %dma_wait3A_18 = tpu.memref_slice %arg2[%mul3A_17] : memref<2097152xf32, #tpu.memory_space<hbm>> -> memref<16384xf32, #tpu.memory_space<hbm>>
    tpu.wait_dma2 semaphore(%arg14 : memref<!tpu.dma_semaphore, #tpu.memory_space<semaphore_mem>>) src(%dma_wait3A_18 : memref<16384xf32, #tpu.memory_space<hbm>>) dst(%arg8 : memref<16384xf32, #tpu.memory_space<vmem>>)
    %dma_wait3A_19 = arith.constant 0 : i32
    %dma_wait3A_20 = tpu.memref_slice %arg7[%dma_wait3A_19] : memref<512xi32, #tpu.memory_space<vmem>> -> memref<128xi32, #tpu.memory_space<vmem>>
    %dma_wait3A_21 = arith.constant 0 : i32
    %dma_wait3A_22 = arith.constant 0 : i32
    %dma_wait3A_23 = tpu.memref_slice %arg4[%dma_wait3A_21, %dma_wait3A_22] : memref<100000x128xf32, #tpu.memory_space<hbm>> -> memref<100000x128xf32, #tpu.memory_space<hbm>>
    tpu.wait_indirect_dma semaphore(%arg16 : memref<!tpu.dma_semaphore, #tpu.memory_space<semaphore_mem>>) src(%dma_wait3A_23 : memref<100000x128xf32, #tpu.memory_space<hbm>>) dst(%arg10 : memref<128x128xf32, #tpu.memory_space<vmem>>)
    %add3A_24 = arith.constant 128 : i32
    %add3A_25 = arith.addi %mul3A_2, %add3A_24 : i32
    %mul3A_26 = arith.constant 128 : i32
    %mul3A_27 = arith.muli %add3A_25, %mul3A_26 : i32
    %dma_start3A_28 = tpu.memref_slice %arg2[%mul3A_27] : memref<2097152xf32, #tpu.memory_space<hbm>> -> memref<16384xf32, #tpu.memory_space<hbm>>
    %dma_start3A_29 = tpu.memref_slice %arg2[%mul3A_27] : memref<2097152xf32, #tpu.memory_space<hbm>> -> memref<16384xf32, #tpu.memory_space<hbm>>
    tpu.enqueue_dma source(%dma_start3A_29 : memref<16384xf32, #tpu.memory_space<hbm>>) target(%arg9 : memref<16384xf32, #tpu.memory_space<vmem>>) target_semaphore(%arg15 : memref<!tpu.dma_semaphore, #tpu.memory_space<semaphore_mem>>)
    %dma_start3A_30 = arith.constant 128 : i32
    %dma_start3A_31 = tpu.memref_slice %arg7[%dma_start3A_30] : memref<512xi32, #tpu.memory_space<vmem>> -> memref<128xi32, #tpu.memory_space<vmem>>
    %dma_start3A_32 = arith.constant 0 : i32
    %dma_start3A_33 = arith.constant 0 : i32
    %dma_start3A_34 = tpu.memref_slice %arg4[%dma_start3A_32, %dma_start3A_33] : memref<100000x128xf32, #tpu.memory_space<hbm>> -> memref<100000x128xf32, #tpu.memory_space<hbm>>
    tpu.enqueue_indirect_dma source(%dma_start3A_34 : memref<100000x128xf32, #tpu.memory_space<hbm>>) target(%arg11 : memref<128x128xf32, #tpu.memory_space<vmem>>) offsets(%dma_start3A_31 : memref<128xi32, #tpu.memory_space<vmem>>) semaphore(%arg17 : memref<!tpu.dma_semaphore, #tpu.memory_space<semaphore_mem>>)
    %scan3A = arith.constant 0 : i32
    %scan3A_35 = arith.constant 0 : i32
    %scan3A_36 = arith.constant 8 : i32
    %scan3A_37 = arith.addi %scan3A_35, %scan3A_36 : i32
    %scan3A_38 = arith.constant 1 : i32
    %scan3A_39 = scf.for %scan3A_117 = %scan3A_35 to %scan3A_37 step %scan3A_38 iter_args(%scan3A_118 = %scan3A) -> (i32)  : i32 {
      %parallel_loop3A = arith.constant 0 : i32
      %parallel_loop3A_119 = arith.constant 16 : i32
      %parallel_loop3A_120 = arith.constant 1 : i32
      %parallel_loop3A_121:2 = scf.for %parallel_loop3A_130 = %parallel_loop3A to %parallel_loop3A_119 step %parallel_loop3A_120 iter_args(%parallel_loop3A_131 = %broadcast_in_dim3A_3, %parallel_loop3A_132 = %broadcast_in_dim3A_3) -> (vector<16xf32>, vector<16xf32>)  : i32 {
        %parallel_loop3A_133 = arith.constant 16 : i32
        %parallel_loop3A_134 = arith.muli %scan3A_117, %parallel_loop3A_133 : i32
        %parallel_loop3A_135 = arith.addi %parallel_loop3A_134, %parallel_loop3A_130 : i32
        %parallel_loop3A_136 = arith.constant 128 : i32
        %parallel_loop3A_137 = arith.muli %parallel_loop3A_135, %parallel_loop3A_136 : i32
        %parallel_loop3A_138 = arith.constant 0 : i32
        %parallel_loop3A_139 = arith.addi %parallel_loop3A_137, %parallel_loop3A_138 : i32
        %parallel_loop3A_140 = arith.index_cast %parallel_loop3A_139 : i32 to index
        %parallel_loop3A_141 = tpu.vector_load %arg8[%parallel_loop3A_140] {strides = array<i32>} : memref<16384xf32, #tpu.memory_space<vmem>>, vector<16xf32>,
        %parallel_loop3A_142 = arith.constant 16 : i32
        %parallel_loop3A_143 = arith.addi %parallel_loop3A_137, %parallel_loop3A_142 : i32
        %parallel_loop3A_144 = arith.index_cast %parallel_loop3A_143 : i32 to index
        %parallel_loop3A_145 = tpu.vector_load %arg8[%parallel_loop3A_144] {strides = array<i32>} : memref<16384xf32, #tpu.memory_space<vmem>>, vector<16xf32>,
        %parallel_loop3A_146 = arith.constant 32 : i32
        %parallel_loop3A_147 = arith.addi %parallel_loop3A_137, %parallel_loop3A_146 : i32
        %parallel_loop3A_148 = arith.index_cast %parallel_loop3A_147 : i32 to index
        %parallel_loop3A_149 = tpu.vector_load %arg8[%parallel_loop3A_148] {strides = array<i32>} : memref<16384xf32, #tpu.memory_space<vmem>>, vector<16xf32>,
        %parallel_loop3A_150 = arith.constant 48 : i32
        %parallel_loop3A_151 = arith.addi %parallel_loop3A_137, %parallel_loop3A_150 : i32
        %parallel_loop3A_152 = arith.index_cast %parallel_loop3A_151 : i32 to index
        %parallel_loop3A_153 = tpu.vector_load %arg8[%parallel_loop3A_152] {strides = array<i32>} : memref<16384xf32, #tpu.memory_space<vmem>>, vector<16xf32>,
        %parallel_loop3A_154 = arith.constant 64 : i32
        %parallel_loop3A_155 = arith.addi %parallel_loop3A_137, %parallel_loop3A_154 : i32
        %parallel_loop3A_156 = arith.index_cast %parallel_loop3A_155 : i32 to index
        %parallel_loop3A_157 = tpu.vector_load %arg8[%parallel_loop3A_156] {strides = array<i32>} : memref<16384xf32, #tpu.memory_space<vmem>>, vector<16xf32>,
        %parallel_loop3A_158 = arith.constant 80 : i32
        %parallel_loop3A_159 = arith.addi %parallel_loop3A_137, %parallel_loop3A_158 : i32
        %parallel_loop3A_160 = arith.index_cast %parallel_loop3A_159 : i32 to index
        %parallel_loop3A_161 = tpu.vector_load %arg8[%parallel_loop3A_160] {strides = array<i32>} : memref<16384xf32, #tpu.memory_space<vmem>>, vector<16xf32>,
        %parallel_loop3A_162 = arith.constant 96 : i32
        %parallel_loop3A_163 = arith.addi %parallel_loop3A_137, %parallel_loop3A_162 : i32
        %parallel_loop3A_164 = arith.index_cast %parallel_loop3A_163 : i32 to index
        %parallel_loop3A_165 = tpu.vector_load %arg8[%parallel_loop3A_164] {strides = array<i32>} : memref<16384xf32, #tpu.memory_space<vmem>>, vector<16xf32>,
        %parallel_loop3A_166 = arith.constant 112 : i32
        %parallel_loop3A_167 = arith.addi %parallel_loop3A_137, %parallel_loop3A_166 : i32
        %parallel_loop3A_168 = arith.index_cast %parallel_loop3A_167 : i32 to index
        %parallel_loop3A_169 = tpu.vector_load %arg8[%parallel_loop3A_168] {strides = array<i32>} : memref<16384xf32, #tpu.memory_space<vmem>>, vector<16xf32>,
        %parallel_loop3A_170 = arith.index_cast %parallel_loop3A_135 : i32 to index
        %parallel_loop3A_171 = arith.constant 0 : index
        %parallel_loop3A_172 = tpu.vector_load %arg10[%parallel_loop3A_170, %parallel_loop3A_171] {strides = array<i32>} : memref<128x128xf32, #tpu.memory_space<vmem>>, vector<16xf32>,
        %parallel_loop3A_173 = arith.index_cast %parallel_loop3A_135 : i32 to index
        %parallel_loop3A_174 = arith.constant 16 : index
        %parallel_loop3A_175 = tpu.vector_load %arg10[%parallel_loop3A_173, %parallel_loop3A_174] {strides = array<i32>} : memref<128x128xf32, #tpu.memory_space<vmem>>, vector<16xf32>,
        %parallel_loop3A_176 = arith.index_cast %parallel_loop3A_135 : i32 to index
        %parallel_loop3A_177 = arith.constant 32 : index
        %parallel_loop3A_178 = tpu.vector_load %arg10[%parallel_loop3A_176, %parallel_loop3A_177] {strides = array<i32>} : memref<128x128xf32, #tpu.memory_space<vmem>>, vector<16xf32>,
        %parallel_loop3A_179 = arith.index_cast %parallel_loop3A_135 : i32 to index
        %parallel_loop3A_180 = arith.constant 48 : index
        %parallel_loop3A_181 = tpu.vector_load %arg10[%parallel_loop3A_179, %parallel_loop3A_180] {strides = array<i32>} : memref<128x128xf32, #tpu.memory_space<vmem>>, vector<16xf32>,
        %parallel_loop3A_182 = arith.index_cast %parallel_loop3A_135 : i32 to index
        %parallel_loop3A_183 = arith.constant 64 : index
        %parallel_loop3A_184 = tpu.vector_load %arg10[%parallel_loop3A_182, %parallel_loop3A_183] {strides = array<i32>} : memref<128x128xf32, #tpu.memory_space<vmem>>, vector<16xf32>,
        %parallel_loop3A_185 = arith.index_cast %parallel_loop3A_135 : i32 to index
        %parallel_loop3A_186 = arith.constant 80 : index
        %parallel_loop3A_187 = tpu.vector_load %arg10[%parallel_loop3A_185, %parallel_loop3A_186] {strides = array<i32>} : memref<128x128xf32, #tpu.memory_space<vmem>>, vector<16xf32>,
        %parallel_loop3A_188 = arith.index_cast %parallel_loop3A_135 : i32 to index
        %parallel_loop3A_189 = arith.constant 96 : index
        %parallel_loop3A_190 = tpu.vector_load %arg10[%parallel_loop3A_188, %parallel_loop3A_189] {strides = array<i32>} : memref<128x128xf32, #tpu.memory_space<vmem>>, vector<16xf32>,
        %parallel_loop3A_191 = arith.index_cast %parallel_loop3A_135 : i32 to index
        %parallel_loop3A_192 = arith.constant 112 : index
        %parallel_loop3A_193 = tpu.vector_load %arg10[%parallel_loop3A_191, %parallel_loop3A_192] {strides = array<i32>} : memref<128x128xf32, #tpu.memory_space<vmem>>, vector<16xf32>,
        %parallel_loop3A_194 = arith.mulf %parallel_loop3A_141, %parallel_loop3A_172 : vector<16xf32>
        %parallel_loop3A_195 = arith.mulf %parallel_loop3A_145, %parallel_loop3A_175 : vector<16xf32>
        %parallel_loop3A_196 = arith.mulf %parallel_loop3A_149, %parallel_loop3A_178 : vector<16xf32>
        %parallel_loop3A_197 = arith.mulf %parallel_loop3A_153, %parallel_loop3A_181 : vector<16xf32>
        %parallel_loop3A_198 = arith.mulf %parallel_loop3A_157, %parallel_loop3A_184 : vector<16xf32>
        %parallel_loop3A_199 = arith.mulf %parallel_loop3A_161, %parallel_loop3A_187 : vector<16xf32>
        %parallel_loop3A_200 = arith.mulf %parallel_loop3A_165, %parallel_loop3A_190 : vector<16xf32>
        %parallel_loop3A_201 = arith.mulf %parallel_loop3A_169, %parallel_loop3A_193 : vector<16xf32>
        %parallel_loop3A_202 = arith.addf %parallel_loop3A_194, %parallel_loop3A_195 : vector<16xf32>
        %parallel_loop3A_203 = arith.addf %parallel_loop3A_196, %parallel_loop3A_197 : vector<16xf32>
        %parallel_loop3A_204 = arith.addf %parallel_loop3A_198, %parallel_loop3A_199 : vector<16xf32>
        %parallel_loop3A_205 = arith.addf %parallel_loop3A_200, %parallel_loop3A_201 : vector<16xf32>
        %parallel_loop3A_206 = arith.addf %parallel_loop3A_202, %parallel_loop3A_203 : vector<16xf32>
        %parallel_loop3A_207 = arith.addf %parallel_loop3A_204, %parallel_loop3A_205 : vector<16xf32>
        %parallel_loop3A_208 = arith.addf %parallel_loop3A_206, %parallel_loop3A_207 : vector<16xf32>
        %parallel_loop3A_209 = arith.constant true
        %parallel_loop3A_210 = vector.broadcast %parallel_loop3A_209 : i1 to vector<16xi1>
        %parallel_loop3A_211 = tpu.scan <sum>, %parallel_loop3A_208 masked %parallel_loop3A_210 : vector<16xf32>, vector<16xi1> -> vector<16xf32>
        %parallel_loop3A_212 = vector.extract %parallel_loop3A_211[15] : f32 from vector<16xf32>
        %parallel_loop3A_213 = arith.mulf %parallel_loop3A_172, %parallel_loop3A_172 : vector<16xf32>
        %parallel_loop3A_214 = arith.mulf %parallel_loop3A_175, %parallel_loop3A_175 : vector<16xf32>
        %parallel_loop3A_215 = arith.mulf %parallel_loop3A_178, %parallel_loop3A_178 : vector<16xf32>
        %parallel_loop3A_216 = arith.mulf %parallel_loop3A_181, %parallel_loop3A_181 : vector<16xf32>
        %parallel_loop3A_217 = arith.mulf %parallel_loop3A_184, %parallel_loop3A_184 : vector<16xf32>
        %parallel_loop3A_218 = arith.mulf %parallel_loop3A_187, %parallel_loop3A_187 : vector<16xf32>
        %parallel_loop3A_219 = arith.mulf %parallel_loop3A_190, %parallel_loop3A_190 : vector<16xf32>
        %parallel_loop3A_220 = arith.mulf %parallel_loop3A_193, %parallel_loop3A_193 : vector<16xf32>
        %parallel_loop3A_221 = arith.addf %parallel_loop3A_213, %parallel_loop3A_214 : vector<16xf32>
        %parallel_loop3A_222 = arith.addf %parallel_loop3A_215, %parallel_loop3A_216 : vector<16xf32>
        %parallel_loop3A_223 = arith.addf %parallel_loop3A_217, %parallel_loop3A_218 : vector<16xf32>
        %parallel_loop3A_224 = arith.addf %parallel_loop3A_219, %parallel_loop3A_220 : vector<16xf32>
        %parallel_loop3A_225 = arith.addf %parallel_loop3A_221, %parallel_loop3A_222 : vector<16xf32>
        %parallel_loop3A_226 = arith.addf %parallel_loop3A_223, %parallel_loop3A_224 : vector<16xf32>
        %parallel_loop3A_227 = arith.addf %parallel_loop3A_225, %parallel_loop3A_226 : vector<16xf32>
        %parallel_loop3A_228 = arith.constant true
        %parallel_loop3A_229 = vector.broadcast %parallel_loop3A_228 : i1 to vector<16xi1>
        %parallel_loop3A_230 = tpu.scan <sum>, %parallel_loop3A_227 masked %parallel_loop3A_229 : vector<16xf32>, vector<16xi1> -> vector<16xf32>
        %parallel_loop3A_231 = vector.extract %parallel_loop3A_230[15] : f32 from vector<16xf32>
        %parallel_loop3A_232 = vector.broadcast %parallel_loop3A_130 : i32 to vector<16xi32>
        %parallel_loop3A_233 = arith.cmpi eq, %iota3A, %parallel_loop3A_232 : vector<16xi32>
        %parallel_loop3A_234 = vector.broadcast %parallel_loop3A_212 : f32 to vector<16xf32>
        %parallel_loop3A_235 = arith.select %parallel_loop3A_233, %parallel_loop3A_234, %parallel_loop3A_131 : vector<16xi1>, vector<16xf32>
        %parallel_loop3A_236 = vector.broadcast %parallel_loop3A_231 : f32 to vector<16xf32>
        %parallel_loop3A_237 = arith.select %parallel_loop3A_233, %parallel_loop3A_236, %parallel_loop3A_132 : vector<16xi1>, vector<16xf32>
        scf.yield %parallel_loop3A_235, %parallel_loop3A_237 : vector<16xf32>, vector<16xf32>
      } {sc.loop_unroll_factor = 2 : i64, sc.parallel_access}
      %add3A_122 = arith.constant 0 : i32
      %add3A_123 = arith.addi %add3A_122, %scan3A_117 : i32
      %mul3A_124 = arith.constant 16 : i32
      %mul3A_125 = arith.muli %add3A_123, %mul3A_124 : i32
      %swap3A = arith.index_cast %mul3A_125 : i32 to index
      %swap3A_126 = tpu.vector_load %arg12[%swap3A] {strides = array<i32>} : memref<512xf32, #tpu.memory_space<vmem>>, vector<16xf32>,
      tpu.vector_store %arg12[%swap3A], %parallel_loop3A_121#0 {strides = array<i32>} : memref<512xf32, #tpu.memory_space<vmem>>, vector<16xf32>,
      %swap3A_127 = arith.index_cast %mul3A_125 : i32 to index
      %swap3A_128 = tpu.vector_load %arg13[%swap3A_127] {strides = array<i32>} : memref<512xf32, #tpu.memory_space<vmem>>, vector<16xf32>,
      tpu.vector_store %arg13[%swap3A_127], %parallel_loop3A_121#1 {strides = array<i32>} : memref<512xf32, #tpu.memory_space<vmem>>, vector<16xf32>,
      %scan3A_129 = arith.constant 0 : i32
      scf.yield %scan3A_129 : i32
    }
    %scan3A_40 = arith.constant 8 : i32
    %add3A_41 = arith.constant 128 : i32
    %add3A_42 = arith.addi %mul3A_2, %add3A_41 : i32
    %mul3A_43 = arith.constant 128 : i32
    %mul3A_44 = arith.muli %add3A_42, %mul3A_43 : i32
    %dma_wait3A_45 = tpu.memref_slice %arg2[%mul3A_44] : memref<2097152xf32, #tpu.memory_space<hbm>> -> memref<16384xf32, #tpu.memory_space<hbm>>
    %dma_wait3A_46 = tpu.memref_slice %arg2[%mul3A_44] : memref<2097152xf32, #tpu.memory_space<hbm>> -> memref<16384xf32, #tpu.memory_space<hbm>>
    tpu.wait_dma2 semaphore(%arg15 : memref<!tpu.dma_semaphore, #tpu.memory_space<semaphore_mem>>) src(%dma_wait3A_46 : memref<16384xf32, #tpu.memory_space<hbm>>) dst(%arg9 : memref<16384xf32, #tpu.memory_space<vmem>>)
    %dma_wait3A_47 = arith.constant 128 : i32
    %dma_wait3A_48 = tpu.memref_slice %arg7[%dma_wait3A_47] : memref<512xi32, #tpu.memory_space<vmem>> -> memref<128xi32, #tpu.memory_space<vmem>>
    %dma_wait3A_49 = arith.constant 0 : i32
    %dma_wait3A_50 = arith.constant 0 : i32
    %dma_wait3A_51 = tpu.memref_slice %arg4[%dma_wait3A_49, %dma_wait3A_50] : memref<100000x128xf32, #tpu.memory_space<hbm>> -> memref<100000x128xf32, #tpu.memory_space<hbm>>
    tpu.wait_indirect_dma semaphore(%arg17 : memref<!tpu.dma_semaphore, #tpu.memory_space<semaphore_mem>>) src(%dma_wait3A_51 : memref<100000x128xf32, #tpu.memory_space<hbm>>) dst(%arg11 : memref<128x128xf32, #tpu.memory_space<vmem>>)
    %add3A_52 = arith.constant 256 : i32
    %add3A_53 = arith.addi %mul3A_2, %add3A_52 : i32
    %mul3A_54 = arith.constant 128 : i32
    %mul3A_55 = arith.muli %add3A_53, %mul3A_54 : i32
    %dma_start3A_56 = tpu.memref_slice %arg2[%mul3A_55] : memref<2097152xf32, #tpu.memory_space<hbm>> -> memref<16384xf32, #tpu.memory_space<hbm>>
    %dma_start3A_57 = tpu.memref_slice %arg2[%mul3A_55] : memref<2097152xf32, #tpu.memory_space<hbm>> -> memref<16384xf32, #tpu.memory_space<hbm>>
    tpu.enqueue_dma source(%dma_start3A_57 : memref<16384xf32, #tpu.memory_space<hbm>>) target(%arg8 : memref<16384xf32, #tpu.memory_space<vmem>>) target_semaphore(%arg14 : memref<!tpu.dma_semaphore, #tpu.memory_space<semaphore_mem>>)
    %dma_start3A_58 = arith.constant 256 : i32
    %dma_start3A_59 = tpu.memref_slice %arg7[%dma_start3A_58] : memref<512xi32, #tpu.memory_space<vmem>> -> memref<128xi32, #tpu.memory_space<vmem>>
    %dma_start3A_60 = arith.constant 0 : i32
    %dma_start3A_61 = arith.constant 0 : i32
    %dma_start3A_62 = tpu.memref_slice %arg4[%dma_start3A_60, %dma_start3A_61] : memref<100000x128xf32, #tpu.memory_space<hbm>> -> memref<100000x128xf32, #tpu.memory_space<hbm>>
    tpu.enqueue_indirect_dma source(%dma_start3A_62 : memref<100000x128xf32, #tpu.memory_space<hbm>>) target(%arg10 : memref<128x128xf32, #tpu.memory_space<vmem>>) offsets(%dma_start3A_59 : memref<128xi32, #tpu.memory_space<vmem>>) semaphore(%arg16 : memref<!tpu.dma_semaphore, #tpu.memory_space<semaphore_mem>>)
    %scan3A_63 = arith.constant 0 : i32
    %scan3A_64 = arith.constant 0 : i32
    %scan3A_65 = arith.constant 8 : i32
    %scan3A_66 = arith.addi %scan3A_64, %scan3A_65 : i32
    %scan3A_67 = arith.constant 1 : i32
    %scan3A_68 = scf.for %scan3A_117 = %scan3A_64 to %scan3A_66 step %scan3A_67 iter_args(%scan3A_118 = %scan3A_63) -> (i32)  : i32 {
      %parallel_loop3A = arith.constant 0 : i32
      %parallel_loop3A_119 = arith.constant 16 : i32
      %parallel_loop3A_120 = arith.constant 1 : i32
      %parallel_loop3A_121:2 = scf.for %parallel_loop3A_130 = %parallel_loop3A to %parallel_loop3A_119 step %parallel_loop3A_120 iter_args(%parallel_loop3A_131 = %broadcast_in_dim3A_3, %parallel_loop3A_132 = %broadcast_in_dim3A_3) -> (vector<16xf32>, vector<16xf32>)  : i32 {
        %parallel_loop3A_133 = arith.constant 16 : i32
        %parallel_loop3A_134 = arith.muli %scan3A_117, %parallel_loop3A_133 : i32
        %parallel_loop3A_135 = arith.addi %parallel_loop3A_134, %parallel_loop3A_130 : i32
        %parallel_loop3A_136 = arith.constant 128 : i32
        %parallel_loop3A_137 = arith.muli %parallel_loop3A_135, %parallel_loop3A_136 : i32
        %parallel_loop3A_138 = arith.constant 0 : i32
        %parallel_loop3A_139 = arith.addi %parallel_loop3A_137, %parallel_loop3A_138 : i32
        %parallel_loop3A_140 = arith.index_cast %parallel_loop3A_139 : i32 to index
        %parallel_loop3A_141 = tpu.vector_load %arg9[%parallel_loop3A_140] {strides = array<i32>} : memref<16384xf32, #tpu.memory_space<vmem>>, vector<16xf32>,
        %parallel_loop3A_142 = arith.constant 16 : i32
        %parallel_loop3A_143 = arith.addi %parallel_loop3A_137, %parallel_loop3A_142 : i32
        %parallel_loop3A_144 = arith.index_cast %parallel_loop3A_143 : i32 to index
        %parallel_loop3A_145 = tpu.vector_load %arg9[%parallel_loop3A_144] {strides = array<i32>} : memref<16384xf32, #tpu.memory_space<vmem>>, vector<16xf32>,
        %parallel_loop3A_146 = arith.constant 32 : i32
        %parallel_loop3A_147 = arith.addi %parallel_loop3A_137, %parallel_loop3A_146 : i32
        %parallel_loop3A_148 = arith.index_cast %parallel_loop3A_147 : i32 to index
        %parallel_loop3A_149 = tpu.vector_load %arg9[%parallel_loop3A_148] {strides = array<i32>} : memref<16384xf32, #tpu.memory_space<vmem>>, vector<16xf32>,
        %parallel_loop3A_150 = arith.constant 48 : i32
        %parallel_loop3A_151 = arith.addi %parallel_loop3A_137, %parallel_loop3A_150 : i32
        %parallel_loop3A_152 = arith.index_cast %parallel_loop3A_151 : i32 to index
        %parallel_loop3A_153 = tpu.vector_load %arg9[%parallel_loop3A_152] {strides = array<i32>} : memref<16384xf32, #tpu.memory_space<vmem>>, vector<16xf32>,
        %parallel_loop3A_154 = arith.constant 64 : i32
        %parallel_loop3A_155 = arith.addi %parallel_loop3A_137, %parallel_loop3A_154 : i32
        %parallel_loop3A_156 = arith.index_cast %parallel_loop3A_155 : i32 to index
        %parallel_loop3A_157 = tpu.vector_load %arg9[%parallel_loop3A_156] {strides = array<i32>} : memref<16384xf32, #tpu.memory_space<vmem>>, vector<16xf32>,
        %parallel_loop3A_158 = arith.constant 80 : i32
        %parallel_loop3A_159 = arith.addi %parallel_loop3A_137, %parallel_loop3A_158 : i32
        %parallel_loop3A_160 = arith.index_cast %parallel_loop3A_159 : i32 to index
        %parallel_loop3A_161 = tpu.vector_load %arg9[%parallel_loop3A_160] {strides = array<i32>} : memref<16384xf32, #tpu.memory_space<vmem>>, vector<16xf32>,
        %parallel_loop3A_162 = arith.constant 96 : i32
        %parallel_loop3A_163 = arith.addi %parallel_loop3A_137, %parallel_loop3A_162 : i32
        %parallel_loop3A_164 = arith.index_cast %parallel_loop3A_163 : i32 to index
        %parallel_loop3A_165 = tpu.vector_load %arg9[%parallel_loop3A_164] {strides = array<i32>} : memref<16384xf32, #tpu.memory_space<vmem>>, vector<16xf32>,
        %parallel_loop3A_166 = arith.constant 112 : i32
        %parallel_loop3A_167 = arith.addi %parallel_loop3A_137, %parallel_loop3A_166 : i32
        %parallel_loop3A_168 = arith.index_cast %parallel_loop3A_167 : i32 to index
        %parallel_loop3A_169 = tpu.vector_load %arg9[%parallel_loop3A_168] {strides = array<i32>} : memref<16384xf32, #tpu.memory_space<vmem>>, vector<16xf32>,
        %parallel_loop3A_170 = arith.index_cast %parallel_loop3A_135 : i32 to index
        %parallel_loop3A_171 = arith.constant 0 : index
        %parallel_loop3A_172 = tpu.vector_load %arg11[%parallel_loop3A_170, %parallel_loop3A_171] {strides = array<i32>} : memref<128x128xf32, #tpu.memory_space<vmem>>, vector<16xf32>,
        %parallel_loop3A_173 = arith.index_cast %parallel_loop3A_135 : i32 to index
        %parallel_loop3A_174 = arith.constant 16 : index
        %parallel_loop3A_175 = tpu.vector_load %arg11[%parallel_loop3A_173, %parallel_loop3A_174] {strides = array<i32>} : memref<128x128xf32, #tpu.memory_space<vmem>>, vector<16xf32>,
        %parallel_loop3A_176 = arith.index_cast %parallel_loop3A_135 : i32 to index
        %parallel_loop3A_177 = arith.constant 32 : index
        %parallel_loop3A_178 = tpu.vector_load %arg11[%parallel_loop3A_176, %parallel_loop3A_177] {strides = array<i32>} : memref<128x128xf32, #tpu.memory_space<vmem>>, vector<16xf32>,
        %parallel_loop3A_179 = arith.index_cast %parallel_loop3A_135 : i32 to index
        %parallel_loop3A_180 = arith.constant 48 : index
        %parallel_loop3A_181 = tpu.vector_load %arg11[%parallel_loop3A_179, %parallel_loop3A_180] {strides = array<i32>} : memref<128x128xf32, #tpu.memory_space<vmem>>, vector<16xf32>,
        %parallel_loop3A_182 = arith.index_cast %parallel_loop3A_135 : i32 to index
        %parallel_loop3A_183 = arith.constant 64 : index
        %parallel_loop3A_184 = tpu.vector_load %arg11[%parallel_loop3A_182, %parallel_loop3A_183] {strides = array<i32>} : memref<128x128xf32, #tpu.memory_space<vmem>>, vector<16xf32>,
        %parallel_loop3A_185 = arith.index_cast %parallel_loop3A_135 : i32 to index
        %parallel_loop3A_186 = arith.constant 80 : index
        %parallel_loop3A_187 = tpu.vector_load %arg11[%parallel_loop3A_185, %parallel_loop3A_186] {strides = array<i32>} : memref<128x128xf32, #tpu.memory_space<vmem>>, vector<16xf32>,
        %parallel_loop3A_188 = arith.index_cast %parallel_loop3A_135 : i32 to index
        %parallel_loop3A_189 = arith.constant 96 : index
        %parallel_loop3A_190 = tpu.vector_load %arg11[%parallel_loop3A_188, %parallel_loop3A_189] {strides = array<i32>} : memref<128x128xf32, #tpu.memory_space<vmem>>, vector<16xf32>,
        %parallel_loop3A_191 = arith.index_cast %parallel_loop3A_135 : i32 to index
        %parallel_loop3A_192 = arith.constant 112 : index
        %parallel_loop3A_193 = tpu.vector_load %arg11[%parallel_loop3A_191, %parallel_loop3A_192] {strides = array<i32>} : memref<128x128xf32, #tpu.memory_space<vmem>>, vector<16xf32>,
        %parallel_loop3A_194 = arith.mulf %parallel_loop3A_141, %parallel_loop3A_172 : vector<16xf32>
        %parallel_loop3A_195 = arith.mulf %parallel_loop3A_145, %parallel_loop3A_175 : vector<16xf32>
        %parallel_loop3A_196 = arith.mulf %parallel_loop3A_149, %parallel_loop3A_178 : vector<16xf32>
        %parallel_loop3A_197 = arith.mulf %parallel_loop3A_153, %parallel_loop3A_181 : vector<16xf32>
        %parallel_loop3A_198 = arith.mulf %parallel_loop3A_157, %parallel_loop3A_184 : vector<16xf32>
        %parallel_loop3A_199 = arith.mulf %parallel_loop3A_161, %parallel_loop3A_187 : vector<16xf32>
        %parallel_loop3A_200 = arith.mulf %parallel_loop3A_165, %parallel_loop3A_190 : vector<16xf32>
        %parallel_loop3A_201 = arith.mulf %parallel_loop3A_169, %parallel_loop3A_193 : vector<16xf32>
        %parallel_loop3A_202 = arith.addf %parallel_loop3A_194, %parallel_loop3A_195 : vector<16xf32>
        %parallel_loop3A_203 = arith.addf %parallel_loop3A_196, %parallel_loop3A_197 : vector<16xf32>
        %parallel_loop3A_204 = arith.addf %parallel_loop3A_198, %parallel_loop3A_199 : vector<16xf32>
        %parallel_loop3A_205 = arith.addf %parallel_loop3A_200, %parallel_loop3A_201 : vector<16xf32>
        %parallel_loop3A_206 = arith.addf %parallel_loop3A_202, %parallel_loop3A_203 : vector<16xf32>
        %parallel_loop3A_207 = arith.addf %parallel_loop3A_204, %parallel_loop3A_205 : vector<16xf32>
        %parallel_loop3A_208 = arith.addf %parallel_loop3A_206, %parallel_loop3A_207 : vector<16xf32>
        %parallel_loop3A_209 = arith.constant true
        %parallel_loop3A_210 = vector.broadcast %parallel_loop3A_209 : i1 to vector<16xi1>
        %parallel_loop3A_211 = tpu.scan <sum>, %parallel_loop3A_208 masked %parallel_loop3A_210 : vector<16xf32>, vector<16xi1> -> vector<16xf32>
        %parallel_loop3A_212 = vector.extract %parallel_loop3A_211[15] : f32 from vector<16xf32>
        %parallel_loop3A_213 = arith.mulf %parallel_loop3A_172, %parallel_loop3A_172 : vector<16xf32>
        %parallel_loop3A_214 = arith.mulf %parallel_loop3A_175, %parallel_loop3A_175 : vector<16xf32>
        %parallel_loop3A_215 = arith.mulf %parallel_loop3A_178, %parallel_loop3A_178 : vector<16xf32>
        %parallel_loop3A_216 = arith.mulf %parallel_loop3A_181, %parallel_loop3A_181 : vector<16xf32>
        %parallel_loop3A_217 = arith.mulf %parallel_loop3A_184, %parallel_loop3A_184 : vector<16xf32>
        %parallel_loop3A_218 = arith.mulf %parallel_loop3A_187, %parallel_loop3A_187 : vector<16xf32>
        %parallel_loop3A_219 = arith.mulf %parallel_loop3A_190, %parallel_loop3A_190 : vector<16xf32>
        %parallel_loop3A_220 = arith.mulf %parallel_loop3A_193, %parallel_loop3A_193 : vector<16xf32>
        %parallel_loop3A_221 = arith.addf %parallel_loop3A_213, %parallel_loop3A_214 : vector<16xf32>
        %parallel_loop3A_222 = arith.addf %parallel_loop3A_215, %parallel_loop3A_216 : vector<16xf32>
        %parallel_loop3A_223 = arith.addf %parallel_loop3A_217, %parallel_loop3A_218 : vector<16xf32>
        %parallel_loop3A_224 = arith.addf %parallel_loop3A_219, %parallel_loop3A_220 : vector<16xf32>
        %parallel_loop3A_225 = arith.addf %parallel_loop3A_221, %parallel_loop3A_222 : vector<16xf32>
        %parallel_loop3A_226 = arith.addf %parallel_loop3A_223, %parallel_loop3A_224 : vector<16xf32>
        %parallel_loop3A_227 = arith.addf %parallel_loop3A_225, %parallel_loop3A_226 : vector<16xf32>
        %parallel_loop3A_228 = arith.constant true
        %parallel_loop3A_229 = vector.broadcast %parallel_loop3A_228 : i1 to vector<16xi1>
        %parallel_loop3A_230 = tpu.scan <sum>, %parallel_loop3A_227 masked %parallel_loop3A_229 : vector<16xf32>, vector<16xi1> -> vector<16xf32>
        %parallel_loop3A_231 = vector.extract %parallel_loop3A_230[15] : f32 from vector<16xf32>
        %parallel_loop3A_232 = vector.broadcast %parallel_loop3A_130 : i32 to vector<16xi32>
        %parallel_loop3A_233 = arith.cmpi eq, %iota3A, %parallel_loop3A_232 : vector<16xi32>
        %parallel_loop3A_234 = vector.broadcast %parallel_loop3A_212 : f32 to vector<16xf32>
        %parallel_loop3A_235 = arith.select %parallel_loop3A_233, %parallel_loop3A_234, %parallel_loop3A_131 : vector<16xi1>, vector<16xf32>
        %parallel_loop3A_236 = vector.broadcast %parallel_loop3A_231 : f32 to vector<16xf32>
        %parallel_loop3A_237 = arith.select %parallel_loop3A_233, %parallel_loop3A_236, %parallel_loop3A_132 : vector<16xi1>, vector<16xf32>
        scf.yield %parallel_loop3A_235, %parallel_loop3A_237 : vector<16xf32>, vector<16xf32>
      } {sc.loop_unroll_factor = 2 : i64, sc.parallel_access}
      %add3A_122 = arith.constant 8 : i32
      %add3A_123 = arith.addi %add3A_122, %scan3A_117 : i32
      %mul3A_124 = arith.constant 16 : i32
      %mul3A_125 = arith.muli %add3A_123, %mul3A_124 : i32
      %swap3A = arith.index_cast %mul3A_125 : i32 to index
      %swap3A_126 = tpu.vector_load %arg12[%swap3A] {strides = array<i32>} : memref<512xf32, #tpu.memory_space<vmem>>, vector<16xf32>,
      tpu.vector_store %arg12[%swap3A], %parallel_loop3A_121#0 {strides = array<i32>} : memref<512xf32, #tpu.memory_space<vmem>>, vector<16xf32>,
      %swap3A_127 = arith.index_cast %mul3A_125 : i32 to index
      %swap3A_128 = tpu.vector_load %arg13[%swap3A_127] {strides = array<i32>} : memref<512xf32, #tpu.memory_space<vmem>>, vector<16xf32>,
      tpu.vector_store %arg13[%swap3A_127], %parallel_loop3A_121#1 {strides = array<i32>} : memref<512xf32, #tpu.memory_space<vmem>>, vector<16xf32>,
      %scan3A_129 = arith.constant 0 : i32
      scf.yield %scan3A_129 : i32
    }
    %scan3A_69 = arith.constant 8 : i32
    %add3A_70 = arith.constant 256 : i32
    %add3A_71 = arith.addi %mul3A_2, %add3A_70 : i32
    %mul3A_72 = arith.constant 128 : i32
    %mul3A_73 = arith.muli %add3A_71, %mul3A_72 : i32
    %dma_wait3A_74 = tpu.memref_slice %arg2[%mul3A_73] : memref<2097152xf32, #tpu.memory_space<hbm>> -> memref<16384xf32, #tpu.memory_space<hbm>>
    %dma_wait3A_75 = tpu.memref_slice %arg2[%mul3A_73] : memref<2097152xf32, #tpu.memory_space<hbm>> -> memref<16384xf32, #tpu.memory_space<hbm>>
    tpu.wait_dma2 semaphore(%arg14 : memref<!tpu.dma_semaphore, #tpu.memory_space<semaphore_mem>>) src(%dma_wait3A_75 : memref<16384xf32, #tpu.memory_space<hbm>>) dst(%arg8 : memref<16384xf32, #tpu.memory_space<vmem>>)
    %dma_wait3A_76 = arith.constant 256 : i32
    %dma_wait3A_77 = tpu.memref_slice %arg7[%dma_wait3A_76] : memref<512xi32, #tpu.memory_space<vmem>> -> memref<128xi32, #tpu.memory_space<vmem>>
    %dma_wait3A_78 = arith.constant 0 : i32
    %dma_wait3A_79 = arith.constant 0 : i32
    %dma_wait3A_80 = tpu.memref_slice %arg4[%dma_wait3A_78, %dma_wait3A_79] : memref<100000x128xf32, #tpu.memory_space<hbm>> -> memref<100000x128xf32, #tpu.memory_space<hbm>>
    tpu.wait_indirect_dma semaphore(%arg16 : memref<!tpu.dma_semaphore, #tpu.memory_space<semaphore_mem>>) src(%dma_wait3A_80 : memref<100000x128xf32, #tpu.memory_space<hbm>>) dst(%arg10 : memref<128x128xf32, #tpu.memory_space<vmem>>)
    %add3A_81 = arith.constant 384 : i32
    %add3A_82 = arith.addi %mul3A_2, %add3A_81 : i32
    %mul3A_83 = arith.constant 128 : i32
    %mul3A_84 = arith.muli %add3A_82, %mul3A_83 : i32
    %dma_start3A_85 = tpu.memref_slice %arg2[%mul3A_84] : memref<2097152xf32, #tpu.memory_space<hbm>> -> memref<16384xf32, #tpu.memory_space<hbm>>
    %dma_start3A_86 = tpu.memref_slice %arg2[%mul3A_84] : memref<2097152xf32, #tpu.memory_space<hbm>> -> memref<16384xf32, #tpu.memory_space<hbm>>
    tpu.enqueue_dma source(%dma_start3A_86 : memref<16384xf32, #tpu.memory_space<hbm>>) target(%arg9 : memref<16384xf32, #tpu.memory_space<vmem>>) target_semaphore(%arg15 : memref<!tpu.dma_semaphore, #tpu.memory_space<semaphore_mem>>)
    %dma_start3A_87 = arith.constant 384 : i32
    %dma_start3A_88 = tpu.memref_slice %arg7[%dma_start3A_87] : memref<512xi32, #tpu.memory_space<vmem>> -> memref<128xi32, #tpu.memory_space<vmem>>
    %dma_start3A_89 = arith.constant 0 : i32
    %dma_start3A_90 = arith.constant 0 : i32
    %dma_start3A_91 = tpu.memref_slice %arg4[%dma_start3A_89, %dma_start3A_90] : memref<100000x128xf32, #tpu.memory_space<hbm>> -> memref<100000x128xf32, #tpu.memory_space<hbm>>
    tpu.enqueue_indirect_dma source(%dma_start3A_91 : memref<100000x128xf32, #tpu.memory_space<hbm>>) target(%arg11 : memref<128x128xf32, #tpu.memory_space<vmem>>) offsets(%dma_start3A_88 : memref<128xi32, #tpu.memory_space<vmem>>) semaphore(%arg17 : memref<!tpu.dma_semaphore, #tpu.memory_space<semaphore_mem>>)
    %scan3A_92 = arith.constant 0 : i32
    %scan3A_93 = arith.constant 0 : i32
    %scan3A_94 = arith.constant 8 : i32
    %scan3A_95 = arith.addi %scan3A_93, %scan3A_94 : i32
    %scan3A_96 = arith.constant 1 : i32
    %scan3A_97 = scf.for %scan3A_117 = %scan3A_93 to %scan3A_95 step %scan3A_96 iter_args(%scan3A_118 = %scan3A_92) -> (i32)  : i32 {
      %parallel_loop3A = arith.constant 0 : i32
      %parallel_loop3A_119 = arith.constant 16 : i32
      %parallel_loop3A_120 = arith.constant 1 : i32
      %parallel_loop3A_121:2 = scf.for %parallel_loop3A_130 = %parallel_loop3A to %parallel_loop3A_119 step %parallel_loop3A_120 iter_args(%parallel_loop3A_131 = %broadcast_in_dim3A_3, %parallel_loop3A_132 = %broadcast_in_dim3A_3) -> (vector<16xf32>, vector<16xf32>)  : i32 {
        %parallel_loop3A_133 = arith.constant 16 : i32
        %parallel_loop3A_134 = arith.muli %scan3A_117, %parallel_loop3A_133 : i32
        %parallel_loop3A_135 = arith.addi %parallel_loop3A_134, %parallel_loop3A_130 : i32
        %parallel_loop3A_136 = arith.constant 128 : i32
        %parallel_loop3A_137 = arith.muli %parallel_loop3A_135, %parallel_loop3A_136 : i32
        %parallel_loop3A_138 = arith.constant 0 : i32
        %parallel_loop3A_139 = arith.addi %parallel_loop3A_137, %parallel_loop3A_138 : i32
        %parallel_loop3A_140 = arith.index_cast %parallel_loop3A_139 : i32 to index
        %parallel_loop3A_141 = tpu.vector_load %arg8[%parallel_loop3A_140] {strides = array<i32>} : memref<16384xf32, #tpu.memory_space<vmem>>, vector<16xf32>,
        %parallel_loop3A_142 = arith.constant 16 : i32
        %parallel_loop3A_143 = arith.addi %parallel_loop3A_137, %parallel_loop3A_142 : i32
        %parallel_loop3A_144 = arith.index_cast %parallel_loop3A_143 : i32 to index
        %parallel_loop3A_145 = tpu.vector_load %arg8[%parallel_loop3A_144] {strides = array<i32>} : memref<16384xf32, #tpu.memory_space<vmem>>, vector<16xf32>,
        %parallel_loop3A_146 = arith.constant 32 : i32
        %parallel_loop3A_147 = arith.addi %parallel_loop3A_137, %parallel_loop3A_146 : i32
        %parallel_loop3A_148 = arith.index_cast %parallel_loop3A_147 : i32 to index
        %parallel_loop3A_149 = tpu.vector_load %arg8[%parallel_loop3A_148] {strides = array<i32>} : memref<16384xf32, #tpu.memory_space<vmem>>, vector<16xf32>,
        %parallel_loop3A_150 = arith.constant 48 : i32
        %parallel_loop3A_151 = arith.addi %parallel_loop3A_137, %parallel_loop3A_150 : i32
        %parallel_loop3A_152 = arith.index_cast %parallel_loop3A_151 : i32 to index
        %parallel_loop3A_153 = tpu.vector_load %arg8[%parallel_loop3A_152] {strides = array<i32>} : memref<16384xf32, #tpu.memory_space<vmem>>, vector<16xf32>,
        %parallel_loop3A_154 = arith.constant 64 : i32
        %parallel_loop3A_155 = arith.addi %parallel_loop3A_137, %parallel_loop3A_154 : i32
        %parallel_loop3A_156 = arith.index_cast %parallel_loop3A_155 : i32 to index
        %parallel_loop3A_157 = tpu.vector_load %arg8[%parallel_loop3A_156] {strides = array<i32>} : memref<16384xf32, #tpu.memory_space<vmem>>, vector<16xf32>,
        %parallel_loop3A_158 = arith.constant 80 : i32
        %parallel_loop3A_159 = arith.addi %parallel_loop3A_137, %parallel_loop3A_158 : i32
        %parallel_loop3A_160 = arith.index_cast %parallel_loop3A_159 : i32 to index
        %parallel_loop3A_161 = tpu.vector_load %arg8[%parallel_loop3A_160] {strides = array<i32>} : memref<16384xf32, #tpu.memory_space<vmem>>, vector<16xf32>,
        %parallel_loop3A_162 = arith.constant 96 : i32
        %parallel_loop3A_163 = arith.addi %parallel_loop3A_137, %parallel_loop3A_162 : i32
        %parallel_loop3A_164 = arith.index_cast %parallel_loop3A_163 : i32 to index
        %parallel_loop3A_165 = tpu.vector_load %arg8[%parallel_loop3A_164] {strides = array<i32>} : memref<16384xf32, #tpu.memory_space<vmem>>, vector<16xf32>,
        %parallel_loop3A_166 = arith.constant 112 : i32
        %parallel_loop3A_167 = arith.addi %parallel_loop3A_137, %parallel_loop3A_166 : i32
        %parallel_loop3A_168 = arith.index_cast %parallel_loop3A_167 : i32 to index
        %parallel_loop3A_169 = tpu.vector_load %arg8[%parallel_loop3A_168] {strides = array<i32>} : memref<16384xf32, #tpu.memory_space<vmem>>, vector<16xf32>,
        %parallel_loop3A_170 = arith.index_cast %parallel_loop3A_135 : i32 to index
        %parallel_loop3A_171 = arith.constant 0 : index
        %parallel_loop3A_172 = tpu.vector_load %arg10[%parallel_loop3A_170, %parallel_loop3A_171] {strides = array<i32>} : memref<128x128xf32, #tpu.memory_space<vmem>>, vector<16xf32>,
        %parallel_loop3A_173 = arith.index_cast %parallel_loop3A_135 : i32 to index
        %parallel_loop3A_174 = arith.constant 16 : index
        %parallel_loop3A_175 = tpu.vector_load %arg10[%parallel_loop3A_173, %parallel_loop3A_174] {strides = array<i32>} : memref<128x128xf32, #tpu.memory_space<vmem>>, vector<16xf32>,
        %parallel_loop3A_176 = arith.index_cast %parallel_loop3A_135 : i32 to index
        %parallel_loop3A_177 = arith.constant 32 : index
        %parallel_loop3A_178 = tpu.vector_load %arg10[%parallel_loop3A_176, %parallel_loop3A_177] {strides = array<i32>} : memref<128x128xf32, #tpu.memory_space<vmem>>, vector<16xf32>,
        %parallel_loop3A_179 = arith.index_cast %parallel_loop3A_135 : i32 to index
        %parallel_loop3A_180 = arith.constant 48 : index
        %parallel_loop3A_181 = tpu.vector_load %arg10[%parallel_loop3A_179, %parallel_loop3A_180] {strides = array<i32>} : memref<128x128xf32, #tpu.memory_space<vmem>>, vector<16xf32>,
        %parallel_loop3A_182 = arith.index_cast %parallel_loop3A_135 : i32 to index
        %parallel_loop3A_183 = arith.constant 64 : index
        %parallel_loop3A_184 = tpu.vector_load %arg10[%parallel_loop3A_182, %parallel_loop3A_183] {strides = array<i32>} : memref<128x128xf32, #tpu.memory_space<vmem>>, vector<16xf32>,
        %parallel_loop3A_185 = arith.index_cast %parallel_loop3A_135 : i32 to index
        %parallel_loop3A_186 = arith.constant 80 : index
        %parallel_loop3A_187 = tpu.vector_load %arg10[%parallel_loop3A_185, %parallel_loop3A_186] {strides = array<i32>} : memref<128x128xf32, #tpu.memory_space<vmem>>, vector<16xf32>,
        %parallel_loop3A_188 = arith.index_cast %parallel_loop3A_135 : i32 to index
        %parallel_loop3A_189 = arith.constant 96 : index
        %parallel_loop3A_190 = tpu.vector_load %arg10[%parallel_loop3A_188, %parallel_loop3A_189] {strides = array<i32>} : memref<128x128xf32, #tpu.memory_space<vmem>>, vector<16xf32>,
        %parallel_loop3A_191 = arith.index_cast %parallel_loop3A_135 : i32 to index
        %parallel_loop3A_192 = arith.constant 112 : index
        %parallel_loop3A_193 = tpu.vector_load %arg10[%parallel_loop3A_191, %parallel_loop3A_192] {strides = array<i32>} : memref<128x128xf32, #tpu.memory_space<vmem>>, vector<16xf32>,
        %parallel_loop3A_194 = arith.mulf %parallel_loop3A_141, %parallel_loop3A_172 : vector<16xf32>
        %parallel_loop3A_195 = arith.mulf %parallel_loop3A_145, %parallel_loop3A_175 : vector<16xf32>
        %parallel_loop3A_196 = arith.mulf %parallel_loop3A_149, %parallel_loop3A_178 : vector<16xf32>
        %parallel_loop3A_197 = arith.mulf %parallel_loop3A_153, %parallel_loop3A_181 : vector<16xf32>
        %parallel_loop3A_198 = arith.mulf %parallel_loop3A_157, %parallel_loop3A_184 : vector<16xf32>
        %parallel_loop3A_199 = arith.mulf %parallel_loop3A_161, %parallel_loop3A_187 : vector<16xf32>
        %parallel_loop3A_200 = arith.mulf %parallel_loop3A_165, %parallel_loop3A_190 : vector<16xf32>
        %parallel_loop3A_201 = arith.mulf %parallel_loop3A_169, %parallel_loop3A_193 : vector<16xf32>
        %parallel_loop3A_202 = arith.addf %parallel_loop3A_194, %parallel_loop3A_195 : vector<16xf32>
        %parallel_loop3A_203 = arith.addf %parallel_loop3A_196, %parallel_loop3A_197 : vector<16xf32>
        %parallel_loop3A_204 = arith.addf %parallel_loop3A_198, %parallel_loop3A_199 : vector<16xf32>
        %parallel_loop3A_205 = arith.addf %parallel_loop3A_200, %parallel_loop3A_201 : vector<16xf32>
        %parallel_loop3A_206 = arith.addf %parallel_loop3A_202, %parallel_loop3A_203 : vector<16xf32>
        %parallel_loop3A_207 = arith.addf %parallel_loop3A_204, %parallel_loop3A_205 : vector<16xf32>
        %parallel_loop3A_208 = arith.addf %parallel_loop3A_206, %parallel_loop3A_207 : vector<16xf32>
        %parallel_loop3A_209 = arith.constant true
        %parallel_loop3A_210 = vector.broadcast %parallel_loop3A_209 : i1 to vector<16xi1>
        %parallel_loop3A_211 = tpu.scan <sum>, %parallel_loop3A_208 masked %parallel_loop3A_210 : vector<16xf32>, vector<16xi1> -> vector<16xf32>
        %parallel_loop3A_212 = vector.extract %parallel_loop3A_211[15] : f32 from vector<16xf32>
        %parallel_loop3A_213 = arith.mulf %parallel_loop3A_172, %parallel_loop3A_172 : vector<16xf32>
        %parallel_loop3A_214 = arith.mulf %parallel_loop3A_175, %parallel_loop3A_175 : vector<16xf32>
        %parallel_loop3A_215 = arith.mulf %parallel_loop3A_178, %parallel_loop3A_178 : vector<16xf32>
        %parallel_loop3A_216 = arith.mulf %parallel_loop3A_181, %parallel_loop3A_181 : vector<16xf32>
        %parallel_loop3A_217 = arith.mulf %parallel_loop3A_184, %parallel_loop3A_184 : vector<16xf32>
        %parallel_loop3A_218 = arith.mulf %parallel_loop3A_187, %parallel_loop3A_187 : vector<16xf32>
        %parallel_loop3A_219 = arith.mulf %parallel_loop3A_190, %parallel_loop3A_190 : vector<16xf32>
        %parallel_loop3A_220 = arith.mulf %parallel_loop3A_193, %parallel_loop3A_193 : vector<16xf32>
        %parallel_loop3A_221 = arith.addf %parallel_loop3A_213, %parallel_loop3A_214 : vector<16xf32>
        %parallel_loop3A_222 = arith.addf %parallel_loop3A_215, %parallel_loop3A_216 : vector<16xf32>
        %parallel_loop3A_223 = arith.addf %parallel_loop3A_217, %parallel_loop3A_218 : vector<16xf32>
        %parallel_loop3A_224 = arith.addf %parallel_loop3A_219, %parallel_loop3A_220 : vector<16xf32>
        %parallel_loop3A_225 = arith.addf %parallel_loop3A_221, %parallel_loop3A_222 : vector<16xf32>
        %parallel_loop3A_226 = arith.addf %parallel_loop3A_223, %parallel_loop3A_224 : vector<16xf32>
        %parallel_loop3A_227 = arith.addf %parallel_loop3A_225, %parallel_loop3A_226 : vector<16xf32>
        %parallel_loop3A_228 = arith.constant true
        %parallel_loop3A_229 = vector.broadcast %parallel_loop3A_228 : i1 to vector<16xi1>
        %parallel_loop3A_230 = tpu.scan <sum>, %parallel_loop3A_227 masked %parallel_loop3A_229 : vector<16xf32>, vector<16xi1> -> vector<16xf32>
        %parallel_loop3A_231 = vector.extract %parallel_loop3A_230[15] : f32 from vector<16xf32>
        %parallel_loop3A_232 = vector.broadcast %parallel_loop3A_130 : i32 to vector<16xi32>
        %parallel_loop3A_233 = arith.cmpi eq, %iota3A, %parallel_loop3A_232 : vector<16xi32>
        %parallel_loop3A_234 = vector.broadcast %parallel_loop3A_212 : f32 to vector<16xf32>
        %parallel_loop3A_235 = arith.select %parallel_loop3A_233, %parallel_loop3A_234, %parallel_loop3A_131 : vector<16xi1>, vector<16xf32>
        %parallel_loop3A_236 = vector.broadcast %parallel_loop3A_231 : f32 to vector<16xf32>
        %parallel_loop3A_237 = arith.select %parallel_loop3A_233, %parallel_loop3A_236, %parallel_loop3A_132 : vector<16xi1>, vector<16xf32>
        scf.yield %parallel_loop3A_235, %parallel_loop3A_237 : vector<16xf32>, vector<16xf32>
      } {sc.loop_unroll_factor = 2 : i64, sc.parallel_access}
      %add3A_122 = arith.constant 16 : i32
      %add3A_123 = arith.addi %add3A_122, %scan3A_117 : i32
      %mul3A_124 = arith.constant 16 : i32
      %mul3A_125 = arith.muli %add3A_123, %mul3A_124 : i32
      %swap3A = arith.index_cast %mul3A_125 : i32 to index
      %swap3A_126 = tpu.vector_load %arg12[%swap3A] {strides = array<i32>} : memref<512xf32, #tpu.memory_space<vmem>>, vector<16xf32>,
      tpu.vector_store %arg12[%swap3A], %parallel_loop3A_121#0 {strides = array<i32>} : memref<512xf32, #tpu.memory_space<vmem>>, vector<16xf32>,
      %swap3A_127 = arith.index_cast %mul3A_125 : i32 to index
      %swap3A_128 = tpu.vector_load %arg13[%swap3A_127] {strides = array<i32>} : memref<512xf32, #tpu.memory_space<vmem>>, vector<16xf32>,
      tpu.vector_store %arg13[%swap3A_127], %parallel_loop3A_121#1 {strides = array<i32>} : memref<512xf32, #tpu.memory_space<vmem>>, vector<16xf32>,
      %scan3A_129 = arith.constant 0 : i32
      scf.yield %scan3A_129 : i32
    }
    %scan3A_98 = arith.constant 8 : i32
    %add3A_99 = arith.constant 384 : i32
    %add3A_100 = arith.addi %mul3A_2, %add3A_99 : i32
    %mul3A_101 = arith.constant 128 : i32
    %mul3A_102 = arith.muli %add3A_100, %mul3A_101 : i32
    %dma_wait3A_103 = tpu.memref_slice %arg2[%mul3A_102] : memref<2097152xf32, #tpu.memory_space<hbm>> -> memref<16384xf32, #tpu.memory_space<hbm>>
    %dma_wait3A_104 = tpu.memref_slice %arg2[%mul3A_102] : memref<2097152xf32, #tpu.memory_space<hbm>> -> memref<16384xf32, #tpu.memory_space<hbm>>
    tpu.wait_dma2 semaphore(%arg15 : memref<!tpu.dma_semaphore, #tpu.memory_space<semaphore_mem>>) src(%dma_wait3A_104 : memref<16384xf32, #tpu.memory_space<hbm>>) dst(%arg9 : memref<16384xf32, #tpu.memory_space<vmem>>)
    %dma_wait3A_105 = arith.constant 384 : i32
    %dma_wait3A_106 = tpu.memref_slice %arg7[%dma_wait3A_105] : memref<512xi32, #tpu.memory_space<vmem>> -> memref<128xi32, #tpu.memory_space<vmem>>
    %dma_wait3A_107 = arith.constant 0 : i32
    %dma_wait3A_108 = arith.constant 0 : i32
    %dma_wait3A_109 = tpu.memref_slice %arg4[%dma_wait3A_107, %dma_wait3A_108] : memref<100000x128xf32, #tpu.memory_space<hbm>> -> memref<100000x128xf32, #tpu.memory_space<hbm>>
    tpu.wait_indirect_dma semaphore(%arg17 : memref<!tpu.dma_semaphore, #tpu.memory_space<semaphore_mem>>) src(%dma_wait3A_109 : memref<100000x128xf32, #tpu.memory_space<hbm>>) dst(%arg11 : memref<128x128xf32, #tpu.memory_space<vmem>>)
    %scan3A_110 = arith.constant 0 : i32
    %scan3A_111 = arith.constant 0 : i32
    %scan3A_112 = arith.constant 8 : i32
    %scan3A_113 = arith.addi %scan3A_111, %scan3A_112 : i32
    %scan3A_114 = arith.constant 1 : i32
    %scan3A_115 = scf.for %scan3A_117 = %scan3A_111 to %scan3A_113 step %scan3A_114 iter_args(%scan3A_118 = %scan3A_110) -> (i32)  : i32 {
      %parallel_loop3A = arith.constant 0 : i32
      %parallel_loop3A_119 = arith.constant 16 : i32
      %parallel_loop3A_120 = arith.constant 1 : i32
      %parallel_loop3A_121:2 = scf.for %parallel_loop3A_130 = %parallel_loop3A to %parallel_loop3A_119 step %parallel_loop3A_120 iter_args(%parallel_loop3A_131 = %broadcast_in_dim3A_3, %parallel_loop3A_132 = %broadcast_in_dim3A_3) -> (vector<16xf32>, vector<16xf32>)  : i32 {
        %parallel_loop3A_133 = arith.constant 16 : i32
        %parallel_loop3A_134 = arith.muli %scan3A_117, %parallel_loop3A_133 : i32
        %parallel_loop3A_135 = arith.addi %parallel_loop3A_134, %parallel_loop3A_130 : i32
        %parallel_loop3A_136 = arith.constant 128 : i32
        %parallel_loop3A_137 = arith.muli %parallel_loop3A_135, %parallel_loop3A_136 : i32
        %parallel_loop3A_138 = arith.constant 0 : i32
        %parallel_loop3A_139 = arith.addi %parallel_loop3A_137, %parallel_loop3A_138 : i32
        %parallel_loop3A_140 = arith.index_cast %parallel_loop3A_139 : i32 to index
        %parallel_loop3A_141 = tpu.vector_load %arg9[%parallel_loop3A_140] {strides = array<i32>} : memref<16384xf32, #tpu.memory_space<vmem>>, vector<16xf32>,
        %parallel_loop3A_142 = arith.constant 16 : i32
        %parallel_loop3A_143 = arith.addi %parallel_loop3A_137, %parallel_loop3A_142 : i32
        %parallel_loop3A_144 = arith.index_cast %parallel_loop3A_143 : i32 to index
        %parallel_loop3A_145 = tpu.vector_load %arg9[%parallel_loop3A_144] {strides = array<i32>} : memref<16384xf32, #tpu.memory_space<vmem>>, vector<16xf32>,
        %parallel_loop3A_146 = arith.constant 32 : i32
        %parallel_loop3A_147 = arith.addi %parallel_loop3A_137, %parallel_loop3A_146 : i32
        %parallel_loop3A_148 = arith.index_cast %parallel_loop3A_147 : i32 to index
        %parallel_loop3A_149 = tpu.vector_load %arg9[%parallel_loop3A_148] {strides = array<i32>} : memref<16384xf32, #tpu.memory_space<vmem>>, vector<16xf32>,
        %parallel_loop3A_150 = arith.constant 48 : i32
        %parallel_loop3A_151 = arith.addi %parallel_loop3A_137, %parallel_loop3A_150 : i32
        %parallel_loop3A_152 = arith.index_cast %parallel_loop3A_151 : i32 to index
        %parallel_loop3A_153 = tpu.vector_load %arg9[%parallel_loop3A_152] {strides = array<i32>} : memref<16384xf32, #tpu.memory_space<vmem>>, vector<16xf32>,
        %parallel_loop3A_154 = arith.constant 64 : i32
        %parallel_loop3A_155 = arith.addi %parallel_loop3A_137, %parallel_loop3A_154 : i32
        %parallel_loop3A_156 = arith.index_cast %parallel_loop3A_155 : i32 to index
        %parallel_loop3A_157 = tpu.vector_load %arg9[%parallel_loop3A_156] {strides = array<i32>} : memref<16384xf32, #tpu.memory_space<vmem>>, vector<16xf32>,
        %parallel_loop3A_158 = arith.constant 80 : i32
        %parallel_loop3A_159 = arith.addi %parallel_loop3A_137, %parallel_loop3A_158 : i32
        %parallel_loop3A_160 = arith.index_cast %parallel_loop3A_159 : i32 to index
        %parallel_loop3A_161 = tpu.vector_load %arg9[%parallel_loop3A_160] {strides = array<i32>} : memref<16384xf32, #tpu.memory_space<vmem>>, vector<16xf32>,
        %parallel_loop3A_162 = arith.constant 96 : i32
        %parallel_loop3A_163 = arith.addi %parallel_loop3A_137, %parallel_loop3A_162 : i32
        %parallel_loop3A_164 = arith.index_cast %parallel_loop3A_163 : i32 to index
        %parallel_loop3A_165 = tpu.vector_load %arg9[%parallel_loop3A_164] {strides = array<i32>} : memref<16384xf32, #tpu.memory_space<vmem>>, vector<16xf32>,
        %parallel_loop3A_166 = arith.constant 112 : i32
        %parallel_loop3A_167 = arith.addi %parallel_loop3A_137, %parallel_loop3A_166 : i32
        %parallel_loop3A_168 = arith.index_cast %parallel_loop3A_167 : i32 to index
        %parallel_loop3A_169 = tpu.vector_load %arg9[%parallel_loop3A_168] {strides = array<i32>} : memref<16384xf32, #tpu.memory_space<vmem>>, vector<16xf32>,
        %parallel_loop3A_170 = arith.index_cast %parallel_loop3A_135 : i32 to index
        %parallel_loop3A_171 = arith.constant 0 : index
        %parallel_loop3A_172 = tpu.vector_load %arg11[%parallel_loop3A_170, %parallel_loop3A_171] {strides = array<i32>} : memref<128x128xf32, #tpu.memory_space<vmem>>, vector<16xf32>,
        %parallel_loop3A_173 = arith.index_cast %parallel_loop3A_135 : i32 to index
        %parallel_loop3A_174 = arith.constant 16 : index
        %parallel_loop3A_175 = tpu.vector_load %arg11[%parallel_loop3A_173, %parallel_loop3A_174] {strides = array<i32>} : memref<128x128xf32, #tpu.memory_space<vmem>>, vector<16xf32>,
        %parallel_loop3A_176 = arith.index_cast %parallel_loop3A_135 : i32 to index
        %parallel_loop3A_177 = arith.constant 32 : index
        %parallel_loop3A_178 = tpu.vector_load %arg11[%parallel_loop3A_176, %parallel_loop3A_177] {strides = array<i32>} : memref<128x128xf32, #tpu.memory_space<vmem>>, vector<16xf32>,
        %parallel_loop3A_179 = arith.index_cast %parallel_loop3A_135 : i32 to index
        %parallel_loop3A_180 = arith.constant 48 : index
        %parallel_loop3A_181 = tpu.vector_load %arg11[%parallel_loop3A_179, %parallel_loop3A_180] {strides = array<i32>} : memref<128x128xf32, #tpu.memory_space<vmem>>, vector<16xf32>,
        %parallel_loop3A_182 = arith.index_cast %parallel_loop3A_135 : i32 to index
        %parallel_loop3A_183 = arith.constant 64 : index
        %parallel_loop3A_184 = tpu.vector_load %arg11[%parallel_loop3A_182, %parallel_loop3A_183] {strides = array<i32>} : memref<128x128xf32, #tpu.memory_space<vmem>>, vector<16xf32>,
        %parallel_loop3A_185 = arith.index_cast %parallel_loop3A_135 : i32 to index
        %parallel_loop3A_186 = arith.constant 80 : index
        %parallel_loop3A_187 = tpu.vector_load %arg11[%parallel_loop3A_185, %parallel_loop3A_186] {strides = array<i32>} : memref<128x128xf32, #tpu.memory_space<vmem>>, vector<16xf32>,
        %parallel_loop3A_188 = arith.index_cast %parallel_loop3A_135 : i32 to index
        %parallel_loop3A_189 = arith.constant 96 : index
        %parallel_loop3A_190 = tpu.vector_load %arg11[%parallel_loop3A_188, %parallel_loop3A_189] {strides = array<i32>} : memref<128x128xf32, #tpu.memory_space<vmem>>, vector<16xf32>,
        %parallel_loop3A_191 = arith.index_cast %parallel_loop3A_135 : i32 to index
        %parallel_loop3A_192 = arith.constant 112 : index
        %parallel_loop3A_193 = tpu.vector_load %arg11[%parallel_loop3A_191, %parallel_loop3A_192] {strides = array<i32>} : memref<128x128xf32, #tpu.memory_space<vmem>>, vector<16xf32>,
        %parallel_loop3A_194 = arith.mulf %parallel_loop3A_141, %parallel_loop3A_172 : vector<16xf32>
        %parallel_loop3A_195 = arith.mulf %parallel_loop3A_145, %parallel_loop3A_175 : vector<16xf32>
        %parallel_loop3A_196 = arith.mulf %parallel_loop3A_149, %parallel_loop3A_178 : vector<16xf32>
        %parallel_loop3A_197 = arith.mulf %parallel_loop3A_153, %parallel_loop3A_181 : vector<16xf32>
        %parallel_loop3A_198 = arith.mulf %parallel_loop3A_157, %parallel_loop3A_184 : vector<16xf32>
        %parallel_loop3A_199 = arith.mulf %parallel_loop3A_161, %parallel_loop3A_187 : vector<16xf32>
        %parallel_loop3A_200 = arith.mulf %parallel_loop3A_165, %parallel_loop3A_190 : vector<16xf32>
        %parallel_loop3A_201 = arith.mulf %parallel_loop3A_169, %parallel_loop3A_193 : vector<16xf32>
        %parallel_loop3A_202 = arith.addf %parallel_loop3A_194, %parallel_loop3A_195 : vector<16xf32>
        %parallel_loop3A_203 = arith.addf %parallel_loop3A_196, %parallel_loop3A_197 : vector<16xf32>
        %parallel_loop3A_204 = arith.addf %parallel_loop3A_198, %parallel_loop3A_199 : vector<16xf32>
        %parallel_loop3A_205 = arith.addf %parallel_loop3A_200, %parallel_loop3A_201 : vector<16xf32>
        %parallel_loop3A_206 = arith.addf %parallel_loop3A_202, %parallel_loop3A_203 : vector<16xf32>
        %parallel_loop3A_207 = arith.addf %parallel_loop3A_204, %parallel_loop3A_205 : vector<16xf32>
        %parallel_loop3A_208 = arith.addf %parallel_loop3A_206, %parallel_loop3A_207 : vector<16xf32>
        %parallel_loop3A_209 = arith.constant true
        %parallel_loop3A_210 = vector.broadcast %parallel_loop3A_209 : i1 to vector<16xi1>
        %parallel_loop3A_211 = tpu.scan <sum>, %parallel_loop3A_208 masked %parallel_loop3A_210 : vector<16xf32>, vector<16xi1> -> vector<16xf32>
        %parallel_loop3A_212 = vector.extract %parallel_loop3A_211[15] : f32 from vector<16xf32>
        %parallel_loop3A_213 = arith.mulf %parallel_loop3A_172, %parallel_loop3A_172 : vector<16xf32>
        %parallel_loop3A_214 = arith.mulf %parallel_loop3A_175, %parallel_loop3A_175 : vector<16xf32>
        %parallel_loop3A_215 = arith.mulf %parallel_loop3A_178, %parallel_loop3A_178 : vector<16xf32>
        %parallel_loop3A_216 = arith.mulf %parallel_loop3A_181, %parallel_loop3A_181 : vector<16xf32>
        %parallel_loop3A_217 = arith.mulf %parallel_loop3A_184, %parallel_loop3A_184 : vector<16xf32>
        %parallel_loop3A_218 = arith.mulf %parallel_loop3A_187, %parallel_loop3A_187 : vector<16xf32>
        %parallel_loop3A_219 = arith.mulf %parallel_loop3A_190, %parallel_loop3A_190 : vector<16xf32>
        %parallel_loop3A_220 = arith.mulf %parallel_loop3A_193, %parallel_loop3A_193 : vector<16xf32>
        %parallel_loop3A_221 = arith.addf %parallel_loop3A_213, %parallel_loop3A_214 : vector<16xf32>
        %parallel_loop3A_222 = arith.addf %parallel_loop3A_215, %parallel_loop3A_216 : vector<16xf32>
        %parallel_loop3A_223 = arith.addf %parallel_loop3A_217, %parallel_loop3A_218 : vector<16xf32>
        %parallel_loop3A_224 = arith.addf %parallel_loop3A_219, %parallel_loop3A_220 : vector<16xf32>
        %parallel_loop3A_225 = arith.addf %parallel_loop3A_221, %parallel_loop3A_222 : vector<16xf32>
        %parallel_loop3A_226 = arith.addf %parallel_loop3A_223, %parallel_loop3A_224 : vector<16xf32>
        %parallel_loop3A_227 = arith.addf %parallel_loop3A_225, %parallel_loop3A_226 : vector<16xf32>
        %parallel_loop3A_228 = arith.constant true
        %parallel_loop3A_229 = vector.broadcast %parallel_loop3A_228 : i1 to vector<16xi1>
        %parallel_loop3A_230 = tpu.scan <sum>, %parallel_loop3A_227 masked %parallel_loop3A_229 : vector<16xf32>, vector<16xi1> -> vector<16xf32>
        %parallel_loop3A_231 = vector.extract %parallel_loop3A_230[15] : f32 from vector<16xf32>
        %parallel_loop3A_232 = vector.broadcast %parallel_loop3A_130 : i32 to vector<16xi32>
        %parallel_loop3A_233 = arith.cmpi eq, %iota3A, %parallel_loop3A_232 : vector<16xi32>
        %parallel_loop3A_234 = vector.broadcast %parallel_loop3A_212 : f32 to vector<16xf32>
        %parallel_loop3A_235 = arith.select %parallel_loop3A_233, %parallel_loop3A_234, %parallel_loop3A_131 : vector<16xi1>, vector<16xf32>
        %parallel_loop3A_236 = vector.broadcast %parallel_loop3A_231 : f32 to vector<16xf32>
        %parallel_loop3A_237 = arith.select %parallel_loop3A_233, %parallel_loop3A_236, %parallel_loop3A_132 : vector<16xi1>, vector<16xf32>
        scf.yield %parallel_loop3A_235, %parallel_loop3A_237 : vector<16xf32>, vector<16xf32>
      } {sc.loop_unroll_factor = 2 : i64, sc.parallel_access}
      %add3A_122 = arith.constant 24 : i32
      %add3A_123 = arith.addi %add3A_122, %scan3A_117 : i32
      %mul3A_124 = arith.constant 16 : i32
      %mul3A_125 = arith.muli %add3A_123, %mul3A_124 : i32
      %swap3A = arith.index_cast %mul3A_125 : i32 to index
      %swap3A_126 = tpu.vector_load %arg12[%swap3A] {strides = array<i32>} : memref<512xf32, #tpu.memory_space<vmem>>, vector<16xf32>,
      tpu.vector_store %arg12[%swap3A], %parallel_loop3A_121#0 {strides = array<i32>} : memref<512xf32, #tpu.memory_space<vmem>>, vector<16xf32>,
      %swap3A_127 = arith.index_cast %mul3A_125 : i32 to index
      %swap3A_128 = tpu.vector_load %arg13[%swap3A_127] {strides = array<i32>} : memref<512xf32, #tpu.memory_space<vmem>>, vector<16xf32>,
      tpu.vector_store %arg13[%swap3A_127], %parallel_loop3A_121#1 {strides = array<i32>} : memref<512xf32, #tpu.memory_space<vmem>>, vector<16xf32>,
      %scan3A_129 = arith.constant 0 : i32
      scf.yield %scan3A_129 : i32
    }
    %scan3A_116 = arith.constant 8 : i32
    "tpu.region"() ({
      %run_scoped3A = tpu.sem_alloc : memref<!tpu.dma_semaphore, #tpu.memory_space<semaphore_mem>>
      %dma_start3A_117 = tpu.memref_slice %arg5[%mul3A_2] : memref<16384xf32, #tpu.memory_space<hbm>> -> memref<512xf32, #tpu.memory_space<hbm>>
      %dma_start3A_118 = tpu.memref_slice %arg5[%mul3A_2] : memref<16384xf32, #tpu.memory_space<hbm>> -> memref<512xf32, #tpu.memory_space<hbm>>
      tpu.enqueue_dma source(%arg12 : memref<512xf32, #tpu.memory_space<vmem>>) target(%dma_start3A_118 : memref<512xf32, #tpu.memory_space<hbm>>) target_semaphore(%run_scoped3A : memref<!tpu.dma_semaphore, #tpu.memory_space<semaphore_mem>>)
      %dma_wait3A_119 = tpu.memref_slice %arg5[%mul3A_2] : memref<16384xf32, #tpu.memory_space<hbm>> -> memref<512xf32, #tpu.memory_space<hbm>>
      %dma_wait3A_120 = tpu.memref_slice %arg5[%mul3A_2] : memref<16384xf32, #tpu.memory_space<hbm>> -> memref<512xf32, #tpu.memory_space<hbm>>
      tpu.wait_dma2 semaphore(%run_scoped3A : memref<!tpu.dma_semaphore, #tpu.memory_space<semaphore_mem>>) src(%arg12 : memref<512xf32, #tpu.memory_space<vmem>>) dst(%dma_wait3A_120 : memref<512xf32, #tpu.memory_space<hbm>>)
      tpu.yield
    }) : () -> ()
    "tpu.region"() ({
      %run_scoped3A = tpu.sem_alloc : memref<!tpu.dma_semaphore, #tpu.memory_space<semaphore_mem>>
      %dma_start3A_117 = tpu.memref_slice %arg6[%mul3A_2] : memref<16384xf32, #tpu.memory_space<hbm>> -> memref<512xf32, #tpu.memory_space<hbm>>
      %dma_start3A_118 = tpu.memref_slice %arg6[%mul3A_2] : memref<16384xf32, #tpu.memory_space<hbm>> -> memref<512xf32, #tpu.memory_space<hbm>>
      tpu.enqueue_dma source(%arg13 : memref<512xf32, #tpu.memory_space<vmem>>) target(%dma_start3A_118 : memref<512xf32, #tpu.memory_space<hbm>>) target_semaphore(%run_scoped3A : memref<!tpu.dma_semaphore, #tpu.memory_space<semaphore_mem>>)
      %dma_wait3A_119 = tpu.memref_slice %arg6[%mul3A_2] : memref<16384xf32, #tpu.memory_space<hbm>> -> memref<512xf32, #tpu.memory_space<hbm>>
      %dma_wait3A_120 = tpu.memref_slice %arg6[%mul3A_2] : memref<16384xf32, #tpu.memory_space<hbm>> -> memref<512xf32, #tpu.memory_space<hbm>>
      tpu.wait_dma2 semaphore(%run_scoped3A : memref<!tpu.dma_semaphore, #tpu.memory_space<semaphore_mem>>) src(%arg13 : memref<512xf32, #tpu.memory_space<vmem>>) dst(%dma_wait3A_120 : memref<512xf32, #tpu.memory_space<hbm>>)
      tpu.yield
    }) : () -> ()
    return
  }
}

module attributes {stable_mosaic.version = 14 : i64} {
  func.func @_xnorm_tc_kernel(%arg0: i32, %arg1: memref<1x2048x128xf32, #tpu.memory_space<vmem>>, %arg2: memref<1x1x2048xf32, #tpu.memory_space<vmem>>) attributes {dimension_semantics = [#tpu.dimension_semantics<arbitrary>], iteration_bounds = array<i64: 8>, scalar_prefetch = 0 : i64, scratch_operands = 0 : i64, tpu.core_type = #tpu.core_type<tc>, window_params = [{transform_indices = @transform_0, window_bounds = array<i64: 1, 2048, 128>}, {transform_indices = @transform_1, window_bounds = array<i64: 1, 1, 2048>}]} {
    %get3A = arith.constant 0 : index
    %get3A_0 = arith.constant 0 : index
    %get3A_1 = arith.constant 0 : index
    %get3A_2 = vector.load %arg1[%get3A, %get3A_0, %get3A_1] : memref<1x2048x128xf32, #tpu.memory_space<vmem>>, vector<1x2048x128xf32>
    %get3A_3 = vector.shape_cast %get3A_2 : vector<1x2048x128xf32> to vector<2048x128xf32>
    %mul3A = arith.mulf %get3A_3, %get3A_3 : vector<2048x128xf32>
    %reduce_sum3A = arith.constant dense<0.000000e+00> : vector<2048xf32>
    %reduce_sum3A_4 = vector.multi_reduction <add>, %mul3A, %reduce_sum3A [1] : vector<2048x128xf32> to vector<2048xf32>
    %broadcast_in_dim3A = vector.shape_cast %reduce_sum3A_4 : vector<2048xf32> to vector<2048x1xf32>
    %transpose3A = tpu.transpose %broadcast_in_dim3A, [1, 0] : vector<2048x1xf32> -> vector<1x2048xf32>
    %swap3A = arith.constant 0 : index
    %swap3A_5 = arith.constant 0 : index
    %swap3A_6 = arith.constant 0 : index
    %swap3A_7 = vector.load %arg2[%swap3A, %swap3A_5, %swap3A_6] : memref<1x1x2048xf32, #tpu.memory_space<vmem>>, vector<1x1x2048xf32>
    %swap3A_8 = vector.shape_cast %swap3A_7 : vector<1x1x2048xf32> to vector<1x2048xf32>
    %swap3A_9 = vector.shape_cast %transpose3A : vector<1x2048xf32> to vector<1x1x2048xf32>
    tpu.vector_store %arg2[%swap3A, %swap3A_5, %swap3A_6], %swap3A_9 {strides = array<i32>} : memref<1x1x2048xf32, #tpu.memory_space<vmem>>, vector<1x1x2048xf32>,
    return
  }
  func.func @transform_0(%arg0: i32) -> (i32, i32, i32) {
    %c0_i32 = arith.constant 0 : i32
    %c0_i32_0 = arith.constant 0 : i32
    %c0_i32_1 = arith.constant 0 : i32
    return %arg0, %c0_i32, %c0_i32_0 : i32, i32, i32
  }
  func.func @transform_1(%arg0: i32) -> (i32, i32, i32) {
    %c0_i32 = arith.constant 0 : i32
    %c0_i32_0 = arith.constant 0 : i32
    %c0_i32_1 = arith.constant 0 : i32
    return %arg0, %c0_i32, %c0_i32_0 : i32, i32, i32
  }
}

module attributes {stable_mosaic.version = 14 : i64} {
  func.func @_loss_tc_kernel(%arg0: memref<128x128xf32, #tpu.memory_space<vmem>>, %arg1: memref<128x128xf32, #tpu.memory_space<vmem>>, %arg2: memref<128x128xf32, #tpu.memory_space<vmem>>, %arg3: memref<1x1xf32, #tpu.memory_space<vmem>>) attributes {dimension_semantics = [], scalar_prefetch = 0 : i64, scratch_operands = 0 : i64, tpu.core_type = #tpu.core_type<tc>} {
    %get3A = arith.constant 0 : index
    %get3A_0 = arith.constant 0 : index
    %get3A_1 = vector.load %arg0[%get3A, %get3A_0] : memref<128x128xf32, #tpu.memory_space<vmem>>, vector<128x128xf32>
    %get3A_2 = arith.constant 0 : index
    %get3A_3 = arith.constant 0 : index
    %get3A_4 = vector.load %arg1[%get3A_2, %get3A_3] : memref<128x128xf32, #tpu.memory_space<vmem>>, vector<128x128xf32>
    %get3A_5 = arith.constant 0 : index
    %get3A_6 = arith.constant 0 : index
    %get3A_7 = vector.load %arg2[%get3A_5, %get3A_6] : memref<128x128xf32, #tpu.memory_space<vmem>>, vector<128x128xf32>
    %sqrt3A = math.sqrt %get3A_4 : vector<128x128xf32>
    %max3A = arith.constant 9.99999996E-13 : f32
    %max3A_8 = vector.broadcast %max3A : f32 to vector<128x128xf32>
    %max3A_9 = arith.maximumf %sqrt3A, %max3A_8 : vector<128x128xf32>
    %sqrt3A_10 = math.sqrt %get3A_7 : vector<128x128xf32>
    %max3A_11 = arith.constant 9.99999996E-13 : f32
    %max3A_12 = vector.broadcast %max3A_11 : f32 to vector<128x128xf32>
    %max3A_13 = arith.maximumf %sqrt3A_10, %max3A_12 : vector<128x128xf32>
    %mul3A = arith.mulf %max3A_9, %max3A_13 : vector<128x128xf32>
    %div3A = arith.divf %get3A_1, %mul3A : vector<128x128xf32>
    %jit3A = arith.constant -1.000000e+00 : f32
    %jit3A_14 = arith.constant 1.000000e+00 : f32
    %max3A_15 = vector.broadcast %jit3A : f32 to vector<128x128xf32>
    %max3A_16 = arith.maximumf %max3A_15, %div3A : vector<128x128xf32>
    %min3A = vector.broadcast %jit3A_14 : f32 to vector<128x128xf32>
    %min3A_17 = arith.minimumf %min3A, %max3A_16 : vector<128x128xf32>
    %reduce_sum3A = vector.shape_cast %min3A_17 : vector<128x128xf32> to vector<1x128x128xf32>
    %reduce_sum3A_18 = arith.constant dense<0.000000e+00> : vector<1xf32>
    %reduce_sum3A_19 = vector.multi_reduction <add>, %reduce_sum3A, %reduce_sum3A_18 [1, 2] : vector<1x128x128xf32> to vector<1xf32>
    %reduce_sum3A_20 = vector.shape_cast %reduce_sum3A_19 : vector<1xf32> to vector<1x1x1xf32>
    %reduce_sum3A_21 = vector.extract %reduce_sum3A_20[0, 0, 0] : f32 from vector<1x1x1xf32>
    %div3A_22 = arith.constant 1.638400e+04 : f32
    %div3A_23 = arith.divf %reduce_sum3A_21, %div3A_22 : f32
    %sub3A = arith.constant 1.000000e+00 : f32
    %sub3A_24 = arith.subf %sub3A, %div3A_23 : f32
    %broadcast_in_dim3A = vector.broadcast %sub3A_24 : f32 to vector<1x1xf32>
    %swap3A = arith.constant 0 : index
    %swap3A_25 = arith.constant 0 : index
    %swap3A_26 = vector.load %arg3[%swap3A, %swap3A_25] : memref<1x1xf32, #tpu.memory_space<vmem>>, vector<1x1xf32>
    tpu.vector_store %arg3[%swap3A, %swap3A_25], %broadcast_in_dim3A {strides = array<i32>} : memref<1x1xf32, #tpu.memory_space<vmem>>, vector<1x1xf32>,
    return
  }
}

</mosaic_0001>

<sc_bundles>
// kernel: kernel.5.cloned.1.call-start
scs
__scs_entry_jumppad:
0x0: {  	(pc) =	sbr.rel $0x88, $3  }
0x1: {  	(tag) =	ssettag $0x0;
	lr =	simm.s32 $0x1  }
0x2: {  	[smem:$0x3F9E] =	sst lr;
	_ =	strace $0xD0000000  }
0x3: {  	_ = 	snop  }
0x4: {  	_ = 	snop  }
0x5: {  	_ = 	snop  }
0x6: {  	_ = 	snop  }
0x7: {  	_ = 	snop  }
__scs_overlays_trampoline_lowered:
0x8: {  	[smem:$0x3FAD] =	sst s0  }
0x9: {  	[smem:$0x3FAE] =	sst s1  }
0xa: {  	[smem:$0x3FAF] =	sst s2  }
0xb: {  	[smem:$0x3FB0] =	sst s3  }
0xc: {  	[smem:$0x3FB1] =	sst s4  }
0xd: {  	[smem:$0x3FB2] =	sst s5  }
0xe: {  	[smem:$0x3FB3] =	sst s6  }
0xf: {  	[smem:$0x3FB4] =	sst s7  }
0x10: {  	[smem:$0x3FB5] =	sst s8  }
0x11: {  	[smem:$0x3FB6] =	sst s9;
	s0 =	simm.s32 @!p0 $0x0  }
0x12: {  	s1 =	sld [smem:$0x3F9C];
	s0 =	simm.s32 @p0 $0x1  }
0x13: {  	[smem:$0x3FB7] =	sst s0;
	s0 =	simm.s32 @!p1 $0x0  }
0x14: {  	s2 =	sld [smem:$0x3F9B];
	s0 =	simm.s32 @p1 $0x1  }
0x15: {  	[smem:$0x3FB8] =	sst s0;
	s0 =	simm.s32 @!p2 $0x0  }
0x16: {  	s3 =	sld [smem:$0x3FDB];
	s0 =	simm.s32 @p2 $0x1  }
0x17: {  	s4 =	simm.s32 $0x1BF5;
	[smem:$0x3FBA] =	sst s0  }
0x18: {  	s0 =	sld [smem:$0x3F9D];
	_ =	swait.ge [sflag:s4], $0x0  }
0x19: {  	s7 =	sld [smem:$0x3F9E]  }
0x1a: {  	s8 =	sadd.s32 $0xFFFFE003, lr  }
0x1b: {  	s9 =	sadd.s32 $0xFFFFFEF7, lr;
	s5 =	simm.s32 $0xFFFFFFFF;
	p2 =	slt.u32 s8, $0xFFFFF086  }
0x1c: {  	p1 =	slt.u32 s9, $0xF7A;
	s5 =	simm.s32 @!p2 $0x0  }
0x1d: {  	s5 =	simm.s32 @p1 $0x1;
	p0 =	seq.s32 s7, s2  }
0x1e: {  	s7 =	smul.u32 @!p0 $0xF7A, s2;
	p2 =	seq.s32 @!p0 s5, $0x0  }
0x1f: {  	s9 =	smul.u32 $0xF7A, s1;
	s8 =	simm.s32 @!p0 $0x1BF5;
	p2 =	por !p2, p0  }
0x20: {  	[sflag:s8] =	ssyncset.s32 @!p0 $0xFFFFF086;
	s6 =	sadd.s32 @!p0 s3, s7;
	s7 =	simm.s32 @!p0 $0x108  }
0x21: {  	s3 =	sadd.s32 s3, s9;
	s6 =	sadd.s32 @!p0 $0x88, s6;
	s7 =	simm.s32 @p2 $0x1082  }
0x22: {  	[simem:s7], [sflag:s8] =	dma.local @!p0 [hbm:s6], $0xF7A  }
0x23: {  	s9 =	sor.u32 $0xD0000000, s2;
	s6 =	simm.s32 $0x108;
	_ =	swait.ge @!p0 [sflag:s8], $0x0  }
0x24: {  	s3 =	sadd.s32 $0x88, s3;
	s6 =	simm.s32 @!p1 $0x1082;
	[sflag:s4] =	ssyncset.s32 $0xFFFFF086  }
0x25: {  	[simem:s6], [sflag:s4] =	dma.local [hbm:s3], $0xF7A  }
0x26: {  	[smem:$0x3F9E] =	sst s1;
	(tag) =	ssettag s2;
	_ =	strace s9  }
0x27: {  	s1 =	sld [smem:$0x3FAE]  }
0x28: {  	s2 =	sld [smem:$0x3FAF]  }
0x29: {  	s4 =	sld [smem:$0x3FB1]  }
0x2a: {  	p0 =	seq.s32 s5, $0x0;
	s5 =	sld [smem:$0x3FB2]  }
0x2b: {  	s6 =	sld [smem:$0x3FB3]  }
0x2c: {  	s7 =	sld [smem:$0x3FB4]  }
0x2d: {  	s3 =	simm.s32 $0x108;
	s8 =	sld [smem:$0x3FB5]  }
0x2e: {  	s3 =	simm.s32 @!p0 $0x1082;
	s9 =	sld [smem:$0x3FB6]  }
0x2f: {  	lr =	sadd.s32 s0, s3;
	s0 =	sld [smem:$0x3FAD]  }
0x30: {  	s3 =	sld [smem:$0x3FB0]  }
0x31: {  	[smem:$0x3FB9] =	sst s10  }
0x32: {  	s10 =	sld [smem:$0x3FB7];
	_ =	sdelay $0x3  }
0x33: {  	p0 =	seq.s32 s10, $0x1;
	s10 =	sld [smem:$0x3FB9];
	_ =	sdelay $0x3  }
0x34: {  	[smem:$0x3FB9] =	sst s10  }
0x35: {  	s10 =	sld [smem:$0x3FB8];
	_ =	sdelay $0x3  }
0x36: {  	p1 =	seq.s32 s10, $0x1;
	s10 =	sld [smem:$0x3FB9];
	_ =	sdelay $0x3  }
0x37: {  	[smem:$0x3FB9] =	sst s10  }
0x38: {  	s10 =	sld [smem:$0x3FBA]  }
0x39: {  	_ = 	snop;
	(pc) =	sbr.ind lr, $3  }
0x3a: {  	_ = 	snop  }
0x3b: {  	_ = 	snop  }
0x3c: {  	p2 =	seq.s32 s10, $0x1;
	s10 =	sld [smem:$0x3FB9]  }
0x3d: {  	_ =	shalt  }
0x3e: {  	_ =	shalt  }
0x3f: {  	_ =	shalt  }
0x40: {  	_ =	shalt  }
0x41: {  	_ =	shalt  }
0x42: {  	_ =	shalt  }
0x43: {  	_ =	shalt  }
0x44: {  	_ =	shalt  }
0x45: {  	_ =	shalt  }
0x46: {  	_ =	shalt  }
0x47: {  	_ =	shalt  }
0x48: {  	_ =	shalt  }
0x49: {  	_ =	shalt  }
0x4a: {  	_ =	shalt  }
0x4b: {  	_ =	shalt  }
0x4c: {  	_ =	shalt  }
0x4d: {  	_ =	shalt  }
0x4e: {  	_ =	shalt  }
0x4f: {  	_ =	shalt  }
0x50: {  	_ =	shalt  }
0x51: {  	_ =	shalt  }
0x52: {  	_ =	shalt  }
0x53: {  	_ =	shalt  }
0x54: {  	_ =	shalt  }
0x55: {  	_ =	shalt  }
0x56: {  	_ =	shalt  }
0x57: {  	_ =	shalt  }
0x58: {  	_ =	shalt  }
0x59: {  	_ =	shalt  }
0x5a: {  	_ =	shalt  }
0x5b: {  	_ =	shalt  }
0x5c: {  	_ =	shalt  }
0x5d: {  	_ =	shalt  }
0x5e: {  	_ =	shalt  }
0x5f: {  	_ =	shalt  }
0x60: {  	_ =	shalt  }
0x61: {  	_ =	shalt  }
0x62: {  	_ =	shalt  }
0x63: {  	_ =	shalt  }
0x64: {  	_ =	shalt  }
0x65: {  	_ =	shalt  }
0x66: {  	_ =	shalt  }
0x67: {  	_ =	shalt  }
0x68: {  	_ =	shalt  }
0x69: {  	_ =	shalt  }
0x6a: {  	_ =	shalt  }
0x6b: {  	_ =	shalt  }
0x6c: {  	_ =	shalt  }
0x6d: {  	_ =	shalt  }
0x6e: {  	_ =	shalt  }
0x6f: {  	_ =	shalt  }
0x70: {  	_ =	shalt  }
0x71: {  	_ =	shalt  }
0x72: {  	_ =	shalt  }
0x73: {  	_ =	shalt  }
0x74: {  	_ =	shalt  }
0x75: {  	_ =	shalt  }
0x76: {  	_ =	shalt  }
0x77: {  	_ =	shalt  }
0x78: {  	_ =	shalt  }
0x79: {  	_ =	shalt  }
0x7a: {  	_ =	shalt  }
0x7b: {  	_ =	shalt  }
0x7c: {  	_ =	shalt  }
0x7d: {  	_ =	shalt  }
0x7e: {  	_ =	shalt  }
0x7f: {  	_ =	shalt  }
0x80: {  	_ =	shalt  }
0x81: {  	_ =	shalt  }
0x82: {  	_ =	shalt  }
0x83: {  	_ =	shalt  }
0x84: {  	_ =	shalt  }
0x85: {  	_ =	shalt  }
0x86: {  	_ =	shalt  }
0x87: {  	_ =	shalt  }
.Lfunc_end0:
.L_simem_size_0:
called_computation_lowered:
.L_overlay_start_0:
0x88: {  	s2 =	sld [smem:$0x3FD9]  }
0x89: {  	s3 =	sld [smem:$0x3FFE];
	_ =	sdelay $0x1  }
0x8a: {  	s1 =	srdreg.scid  }
0x8b: {  	s0 =	sand.u32 $0x1, s1  }
0x8c: {  	s17 =	sshll.u32 s0, $0xA;
	s2 =	sadd.s32 s3, s2  }
0x8d: {  	s2 =	sadd.s32 s2, s17  }
0x8e: {  	[smem:$0x3FC5] =	sst s2  }
0x8f: {  	_ = 	snop  }
0x90: {  	s2 =	sld [smem:$0x3FC9]  }
0x91: {  	s18 =	sld [smem:$0x3FC8]  }
0x92: {  	s4 =	sld [smem:$0x3FC7];
	(tm) =	ssettm $0x1  }
0x93: {  	s5 =	sld [smem:$0x3FFB];
	_ =	sdelay $0x3  }
0x94: {  	_ =	strace s5  }
0x95: {  	s5 =	sld [smem:$0x3FFC];
	_ =	sdelay $0x3  }
0x96: {  	_ =	strace s5  }
0x97: {  	s5 =	sld [smem:$0x3FFD];
	_ =	sdelay $0x3  }
0x98: {  	_ =	strace s5  }
0x99: {  	_ =	strace $0x8FFFFFFF  }
0x9a: {  	s19 =	sld [smem:$0x3FDB];
	_ =	sdelay $0x1  }
0x9b: {  	s6 =	simm.s32 $_scs_section_size  }
0x9c: {  	s7 =	simm.s32 $_size__tile_overlayer_lowered;
	s8 =	simm.s32 $_tile_overlayer_lowered  }
0x9d: {  	s22 =	simm.s32 $0x1BFF;
	s21 =	sshll.u32 s8, $0x1;
	s5 =	sadd.s32 s6, s19  }
0x9e: {  	s9 =	simm.s32 $0x0;
	s20 =	sshll.u32 s7, $0x1;
	s7 =	sadd.s32 s21, s5  }
0x9f: {  	[timem:s9], [sflag:s22] =	dma.local [hbm:s7], s20  }
0xa0: {  	_ =	swait.ge [sflag:s22], s20  }
0xa1: {  	s6 =	ssub.s32 $0x0, s20;
	[sflag:s22] =	ssyncset.done $0x0  }
0xa2: {  	[sflag:s22] =	ssyncadd.s32 s6;
	_ =	sdelay $0x1  }
0xa3: {  	s23 =	simm.s32 $0x1B8B  }
0xa4: {  	_ =	swait.ge [sflag:s23], $0x1  }
0xa5: {  	[sflag:s23] =	ssyncset.done $0x0  }
0xa6: {  	s25 =	simm.s32 $0x1B8E;
	s24 =	sld [smem:$0x3FFE];
	[sflag:s23] =	ssyncadd.s32 $0xFFFFFFFF  }
0xa7: {  	s26 =	simm.s32 $execute0_lowered;
	[smem:$0x3FD2] =	sst s25  }
0xa8: {  	s7 =	sshll.u32 s26, $0x1;
	_ =	strace $0x80000046;
	[dreg:$0x1] =	wrdreg $0xFFFFFFFF  }
0xa9: {  	s28 =	simm.s32 $_size_execute0_lowered;
	s5 =	sadd.s32 s5, s7;
	[dreg:$0x0] =	wrdreg $0x0  }
0xaa: {  	s7 =	sshll.u32 s28, $0x1;
	[dreg:$0x2] =	wrdreg s5  }
0xab: {  	[dreg:$0x3] =	wrdreg s7  }
0xac: {  	[dreg:$0x4] =	wrdreg $0xC0  }
0xad: {  	_ =	task [dreg:s9], $0x5FFFF  }
0xae: {  	[dreg:$0x1] =	wrdreg $0xFFFFFFFF  }
0xaf: {  	[dreg:$0x0] =	wrdreg $0x60  }
0xb0: {  	[dreg:$0x2] =	wrdreg s2  }
0xb1: {  	[dreg:$0x3] =	wrdreg s18  }
0xb2: {  	[dreg:$0x4] =	wrdreg s4  }
0xb3: {  	[dreg:$0x5] =	wrdreg s24  }
0xb4: {  	[dreg:$0x6] =	wrdreg $0x9  }
0xb5: {  	_ =	task.clear_ibuf [dreg:s9], $0x7FFFF;
	_ =	strace $0x90000046  }
0xb6: {  	s29 =	simm.s32 $0x9;
	_ =	strace $0x80000048  }
0xb7: {  	_ =	swait.ge [sflag:s29], $0x1  }
0xb8: {  	[sflag:s29] =	ssyncadd.s32 $0xFFFFFFFF  }
0xb9: {  	_ =	strace $0x90000048  }
0xba: {  	_ =	sfence  }
0xbb: {  	s30 =	sld [smem:$0x0];
	_ =	sdelay $0x2  }
0xbc: {  	s31 =	sshll.u32 s1, $0xD;
	s1 =	sshrl.u32 s1, $0x2  }
0xbd: {  	s3 =	sand.u32 $0x4000, s31;
	s1 =	sadd.s32 s1, s30  }
0xbe: {  	s0 =	sor.u32 s3, s0;
	s1 =	sshll.u32 s1, $0x11  }
0xbf: {  	s0 =	sor.u32 s1, s0  }
0xc0: {  	s0 =	sadd.s32 $0x8F2B, s0  }
0xc1: {  	[sflag:s0] =	ssyncadd.remote.s32 $0x1  }
0xc2: {  	_ =	sfence.sel $0xFFFF  }
0xc3: {  	[dreg:$0x0] =	wrdreg $0xFFFFFFFF;
	(pc) =	sbr.abs _section_cstart, $3  }
0xc4: {  	[dreg:$0x1] =	wrdreg $0xFFFFFFFF  }
0xc5: {  	_ =	task.clear_ibuf [dreg:s9], $0x2FFFF;
	_ =	strace $0x9FFFFFFF  }
0xc6: {  	(tm) =	ssettm $0x7FFFFFFF  }
0xc7: {  	_ =	shalt  }
tec
execute0_lowered:
.L_overlay_start_1:
0x0: {  	(tag) =	ssettag $0x1  }
0x1: {  	s0 =	rddreg [dreg:$0x0]  }
0x2: {  	s1 =	rddreg [dreg:$0x1]  }
0x3: {  	s2 =	rddreg [dreg:$0x2]  }
0x4: {  	s4 =	rddreg [dreg:$0x3]  }
0x5: {  	s5 =	srdreg.scid;
	s6 =	stileid.u32;
	s3 =	simm.s32 $0x0  }
0x6: {  	s12 =	simm.s32 $0x5;
	s13 =	simm.s32 $0x200;
	s14 =	simm.s32 $0x80  }
0x7: {  	s15 =	simm.s32 $0x8200;
	s16 =	simm.s32 $0x1;
	s17 =	simm.s32 $0x3  }
0x8: {  	s18 =	simm.s32 $0x4200;
	s19 =	simm.s32 $0xC200;
	s20 =	simm.s32 $0x2  }
0x9: {  	s21 =	simm.s32 $0x4;
	s5 =	sand.u32 $0x1, s5;
	s6 =	sshll.u32 s6, $0x1  }
0xa: {  	s26 =	simm.s32 $0x0;
	[smem:$0x7FF] =	sst s3;
	s6 =	sor.u32 s5, s6  }
0xb: {  	_ =	strace $0x80000047;
	s5 =	ssub.s32 $0x2, s5;
	s7 =	sshll.u32 s6, $0x6  }
0xc: {  	s31 =	sshrl.u32 s5, $0x1;
	s6 =	sshll.u32 s6, $0xD;
	s10 =	sadd.s32 s7, s4  }
0xd: {  	s11 =	ssub.s32 s5, s31;
	s4 =	sadd.s32 s1, s7;
	s5 =	sadd.s32 s0, s6  }
0xe: {  	s6 =	sadd.s32 $0x800, s5;
	s7 =	sadd.s32 $0x1000, s5;
	s8 =	sadd.s32 $0x1800, s5  }
0xf: {  	v0 =	vlaneseq.u32;
	s9 =	sadd.s32 $0xE00, s10;
	s10 =	sadd.s32 $0x1600, s10;
	s11 =	smax.u32 s11, $0x1  }
.LBB2_1:
0x10: {  	[tilespmem:s3], [sflag:$0x5] =	stream.linear.gather [hbm4b:s4+s3], $0x200, $0x38;
	[tilespmem:$0x10600] =	vst v63  }
0x11: {  	_ =	swait.ge [sflag:s12], $0x200  }
0x12: {  	[sflag:s12] =	ssyncset.done $0x0  }
0x13: {  	[sflag:s12] =	ssyncadd.s32 $0xFFFFFE00  }
0x14: {  	[tilespmem:s13], [sflag:$0x1] =	stream.linear.gather [hbm4b:s5+s3], $0x4000, $0x38;
	[tilespmem:$0x10600] =	vst v63  }
0x15: {  	_ = 	snop  }
0x16: {  	[tilespmem:s15], [sflag:$0x3] =	stream.indirect.gather [hbm4b:s2+s14], $0x80, s3, s14, $0xb8;
	[tilespmem:$0x10600] =	vst v63  }
0x17: {  	_ =	swait.ge [sflag:s16], $0x4000  }
0x18: {  	[sflag:s16] =	ssyncset.done $0x0  }
0x19: {  	[sflag:s16] =	ssyncadd.s32 $0xFFFFC000  }
0x1a: {  	_ =	swait.ge [sflag:s17], $0x4000  }
0x1b: {  	[sflag:s17] =	ssyncset.done $0x0  }
0x1c: {  	[sflag:s17] =	ssyncadd.s32 $0xFFFFC000  }
0x1d: {  	[tilespmem:s18], [sflag:$0x2] =	stream.linear.gather [hbm4b:s6+s3], $0x4000, $0x38;
	[tilespmem:$0x10600] =	vst v63  }
0x1e: {  	s28 =	simm.s32 $0x280;
	s29 =	simm.s32 $0x8280;
	s30 =	simm.s32 $0x0  }
0x1f: {  	[tilespmem:s19], [sflag:$0x4] =	stream.indirect.gather [hbm4b:s2+s14], $0x80, s14, s14, $0xb8;
	[tilespmem:$0x10600] =	vst v63  }
.LBB2_2:
0x20: {  	v1 =	vld [tilespmem:s28+$0xFFFFFFE0]  }
0x21: {  	v2 =	vld [tilespmem:s28+$0x30]  }
0x22: {  	v3 =	vld [tilespmem:s28+$0x10]  }
0x23: {  	v4 =	vld [tilespmem:s29+$0x70]  }
0x24: {  	v5 =	vld [tilespmem:s28+$0x70]  }
0x25: {  	v6 =	vld [tilespmem:s29+$0x60]  }
0x26: {  	v7 =	vld [tilespmem:s28+$0x60]  }
0x27: {  	v8 =	vld [tilespmem:s28+$0x50]  }
0x28: {  	v9 =	vld [tilespmem:s28+$0xFFFFFFF0]  }
0x29: {  	v10 =	vld [tilespmem:s29+$0x50]  }
0x2a: {  	v11 =	vld [tilespmem:s29+$0x40]  }
0x2b: {  	v12 =	vld [tilespmem:s28+$0x0]  }
0x2c: {  	v13 =	vld [tilespmem:s29+$0x0]  }
0x2d: {  	v14 =	vld [tilespmem:s28+$0xFFFFFFD0]  }
0x2e: {  	v15 =	vld [tilespmem:s29+$0x10]  }
0x2f: {  	v16 =	vld [tilespmem:s29+$0xFFFFFFF0]  }
0x30: {  	v17 =	vld [tilespmem:s29+$0x20]  }
0x31: {  	v18 =	vld [tilespmem:s28+$0xFFFFFFB0]  }
0x32: {  	v19 =	vld [tilespmem:s29+$0xFFFFFFD0]  }
0x33: {  	v20 =	vld [tilespmem:s29+$0xFFFFFFC0]  }
0x34: {  	v21 =	vld [tilespmem:s28+$0x20]  }
0x35: {  	v22 =	vld [tilespmem:s29+$0xFFFFFFB0]  }
0x36: {  	v23 =	vld [tilespmem:s29+$0xFFFFFFE0]  }
0x37: {  	v24 =	vld [tilespmem:s29+$0x30]  }
0x38: {  	v25 =	vld [tilespmem:s29+$0xFFFFFF90]  }
0x39: {  	v26 =	vld [tilespmem:s29+$0xFFFFFF80]  }
0x3a: {  	v27 =	vld [tilespmem:s29+$0xFFFFFFA0];
	v5 =	vmul.f32 v4, v5;
	v28 =	vmul.f32 v6, v6  }
0x3b: {  	v29 =	vld [tilespmem:s28+$0xFFFFFFA0];
	v6 =	vmul.f32 v6, v7;
	v7 =	vmul.f32 v10, v8  }
0x3c: {  	v31 =	vld [tilespmem:s28+$0xFFFFFF80];
	v30 =	vmul.f32 v11, v11;
	v10 =	vmul.f32 v10, v10  }
0x3d: {  	v33 =	vld [tilespmem:s28+$0xFFFFFF90];
	v4 =	vmul.f32 v4, v4;
	v32 =	vmul.f32 v15, v15  }
0x3e: {  	v36 =	vld [tilespmem:s28+$0xFFFFFFC0];
	s31 =	sadd.s32 $0x100, s29;
	v34 =	vmul.f32 v16, v16;
	v35 =	vmul.f32 v17, v17  }
0x3f: {  	s23 =	sadd.s32 $0x100, s28;
	v57 =	vld [tilespmem:s31+$0x70];
	v9 =	vmul.f32 v16, v9;
	v12 =	vmul.f32 v13, v12  }
0x40: {  	v58 =	vld [tilespmem:s23+$0x70];
	v3 =	vmul.f32 v15, v3;
	v15 =	vmul.f32 v24, v24  }
0x41: {  	v60 =	vld [tilespmem:s31+$0x30];
	v17 =	vmul.f32 v17, v21;
	v21 =	vmul.f32 v20, v20  }
0x42: {  	v8 =	vld [tilespmem:s28+$0x40];
	v1 =	vmul.f32 v23, v1;
	v18 =	vmul.f32 v22, v18  }
0x43: {  	v16 =	vld [tilespmem:s23+$0xFFFFFFE0];
	v5 =	vadd.f32 v5, v6;
	v10 =	vadd.f32 v10, v30;
	v30 =	vmul.f32 v13, v13  }
0x44: {  	v14 =	vmul.f32 v19, v14;
	v13 =	vld [tilespmem:s23+$0x30];
	v4 =	vadd.f32 v4, v28;
	v3 =	vadd.f32 v3, v12  }
0x45: {  	v6 =	vmul.f32 v19, v19;
	v28 =	vld [tilespmem:s23+$0x10];
	v15 =	vadd.f32 v15, v35;
	v30 =	vadd.f32 v32, v30  }
0x46: {  	v12 =	vmul.f32 v23, v23;
	v1 =	vadd.f32 v9, v1;
	v9 =	vmul.f32 v27, v29;
	v19 =	vld [tilespmem:s23+$0xFFFFFFF0]  }
0x47: {  	v23 =	vld [tilespmem:s23+$0x20];
	v4 =	vadd.f32 v4, v10;
	v8 =	vmul.f32 v11, v8;
	v15 =	vadd.f32 v15, v30  }
0x48: {  	v2 =	vmul.f32 v24, v2;
	v6 =	vadd.f32 v6, v21;
	v10 =	vld [tilespmem:s31+$0x60];
	v9 =	vadd.f32 v18, v9  }
0x49: {  	v21 =	vld [tilespmem:s23+$0x60];
	v18 =	vmul.f32 v26, v31;
	v7 =	vadd.f32 v7, v8;
	v4 =	vadd.f32 v4, v15  }
0x4a: {  	v12 =	vadd.f32 v34, v12;
	v31 =	vld [tilespmem:s31+$0xFFFFFFB0];
	v8 =	vmul.f32 v20, v36;
	v20 =	vmul.f32 v25, v33  }
0x4b: {  	v11 =	vld [tilespmem:s23+$0x50];
	v15 =	vadd.f32 v2, v17;
	v5 =	vadd.f32 v5, v7;
	v7 =	vmul.f32 v26, v26;
	(xrf2) =	vadd.scan.msk.f32 $0xffff, v4  }
0x4c: {  	v17 =	vld [tilespmem:s31+$0x50];
	v18 =	vadd.f32 v20, v18;
	v8 =	vadd.f32 v14, v8;
	v20 =	vmul.f32 v27, v27  }
0x4d: {  	v2 =	vld [tilespmem:s31+$0x40];
	v4 =	vmul.f32 v22, v22;
	v3 =	vadd.f32 v15, v3;
	v22 =	vmul.f32 v25, v25  }
0x4e: {  	v14 =	vld [tilespmem:s31+$0x0];
	v9 =	vadd.f32 v9, v18;
	v1 =	vadd.f32 v1, v8  }
0x4f: {  	v27 =	vld [tilespmem:s31+$0xFFFFFFE0];
	v4 =	vadd.f32 v4, v20;
	v7 =	vadd.f32 v22, v7  }
0x50: {  	v24 =	vmul.f32 v57, v57;
	v6 =	vadd.f32 v12, v6;
	v15 =	vld [tilespmem:s23+$0x0];
	v5 =	vadd.f32 v5, v3  }
0x51: {  	v12 =	vmul.f32 v57, v58;
	v18 =	vld [tilespmem:s31+$0x10];
	v1 =	vadd.f32 v1, v9;
	v4 =	vadd.f32 v4, v7  }
0x52: {  	v34 =	vmul.f32 v60, v13;
	v8 =	vld [tilespmem:s31+$0xFFFFFFC0];
	v22 =	vmul.f32 v10, v10;
	(xrf2) =	vadd.scan.msk.f32 $0xffff, v5  }
0x53: {  	s24 =	simm.s32 $0x1;
	v20 =	vld [tilespmem:s31+$0x20];
	v10 =	vmul.f32 v10, v21;
	v7 =	vmul.f32 v17, v11;
	(xrf2) =	vadd.scan.msk.f32 $0xffff, v1;
	v6 =	vadd.f32 v6, v4  }
0x54: {  	v13 =	vmov s24;
	v21 =	vld [tilespmem:s23+$0xFFFFFFB0];
	v11 =	vmul.f32 v2, v2;
	v17 =	vmul.f32 v17, v17  }
0x55: {  	v9 =	vld [tilespmem:s31+$0xFFFFFFD0];
	v29 =	vmul.f32 v14, v14;
	v24 =	vadd.f32 v24, v22;
	v63 =	vmul.f32 v27, v27;
	v25, _, _ =	vpop (xrf2);
	(xrf2) =	vadd.scan.msk.f32 $0xffff, v6  }
0x56: {  	v5 =	vld [tilespmem:s31+$0xFFFFFFF0];
	v1 =	vimm.f32 $0.0e+00;
	v61 =	vmul.f32 v14, v15;
	v26 =	vmul.f32 v18, v18  }
0x57: {  	v33 =	vld [tilespmem:s23+$0x40];
	v4 =	vadd.f32 v12, v10;
	v62 =	vmul.f32 v8, v8;
	v18 =	vmul.f32 v18, v28  }
0x58: {  	s0 =	simm.s32 $0x0;
	v17 =	vadd.f32 v17, v11;
	v12 =	vld [tilespmem:s31+$0xFFFFFF80];
	v28 =	vmul.f32 v27, v16;
	v27 =	vmul.f32 v31, v31  }
0x59: {  	v3 =	vld [tilespmem:s23+$0xFFFFFFD0];
	v10 =	vmov s0;
	v11 =	vmul.f32 v20, v20;
	v31 =	vmul.f32 v31, v21  }
0x5a: {  	vm0 =	veq.s32 v10, v0;
	v59 =	vmul.f32 v9, v9;
	v6 =	vbroadcast v25, $0xF;
	v25 =	vld [tilespmem:s31+$0xFFFFFFA0]  }
0x5b: {  	v10 =	vld [tilespmem:s31+$0xFFFFFF90];
	v14 =	vadd.f32 v26, v29;
	v16 =	vadd.f32 v18, v61;
	v30 =	vmul.f32 v5, v5  }
0x5c: {  	v29 =	vld [tilespmem:s23+$0xFFFFFFA0];
	v17 =	vadd.f32 v24, v17;
	v5 =	vmul.f32 v5, v19;
	v19 =	vmul.f32 v20, v23;
	v15, _, _ =	vpop (xrf2)  }
0x5d: {  	v21 =	vld [tilespmem:s23+$0xFFFFFF90];
	v23 =	vmul.f32 v60, v60;
	v22 =	vadd.f32 v59, v62;
	v24 =	vmul.f32 v12, v12;
	v18, _, _ =	vpop (xrf2)  }
0x5e: {  	s1 =	simm.s32 $0x2;
	v20 =	vld [tilespmem:s23+$0xFFFFFF80];
	v32 =	vadd.f32 v30, v63;
	v15 =	vbroadcast v15, $0xF;
	v26 =	vbroadcast v18, $0xF  }
0x5f: {  	s22 =	simm.s32 $0x4;
	s0 =	sshll.u32 s30, $0x4;
	v18 =	vadd.f32 v5, v28;
	v28 =	vld [tilespmem:s23+$0xFFFFFFC0];
	v35 =	vmul.f32 v25, v25;
	s23 =	sadd.s32 $0x100, s23;
	v5 =	vimm.f32 $0.0e+00;
	v30, _, _ =	vpop (xrf2)  }
.LBB2_3:
0x60: {  	p0 =	slt.u32 s22, $0xE  }
0x61: {  	v36 =	vld [tilespmem:s23+$0xFFFFFFE0];
	v25 =	vmul.f32 v25, v29;
	s31 =	sadd.s32 $0x100, s31;
	v1 =	vsel vm0, v26, v1;
	vm1 =	veq.s32 v13, v0;
	s24 =	smov.u32 s22;
	s22 =	sadd.s32 $0x2, s22  }
0x62: {  	v13 =	vld [tilespmem:s23+$0x30];
	v26 =	vadd.f32 v27, v35;
	v2 =	vmul.f32 v2, v33;
	v27 =	vbroadcast v30, $0xF  }
0x63: {  	v3 =	vmul.f32 v9, v3;
	v1 =	vsel vm1, v15, v1;
	v29 =	vld [tilespmem:s23+$0x10];
	v9 =	vadd.f32 v31, v25  }
0x64: {  	v19 =	vadd.f32 v34, v19;
	v25 =	vmul.f32 v10, v10;
	v15 =	vld [tilespmem:s31+$0x70];
	v2 =	vadd.f32 v7, v2  }
0x65: {  	v22 =	vadd.f32 v32, v22;
	v11 =	vadd.f32 v23, v11;
	v5 =	vsel vm0, v27, v5;
	v7 =	vld [tilespmem:s23+$0x70]  }
0x66: {  	v24 =	vadd.f32 v25, v24;
	v5 =	vsel vm1, v6, v5;
	v23 =	vld [tilespmem:s31+$0x60];
	v2 =	vadd.f32 v4, v2  }
0x67: {  	v11 =	vadd.f32 v11, v14;
	v6 =	vadd.f32 v19, v16;
	v4 =	vld [tilespmem:s23+$0x60]  }
0x68: {  	v8 =	vmul.f32 v8, v28;
	v16 =	vadd.f32 v26, v24;
	v14 =	vld [tilespmem:s23+$0x50]  }
0x69: {  	v12 =	vmul.f32 v12, v20;
	v10 =	vmul.f32 v10, v21;
	v11 =	vadd.f32 v17, v11;
	v19 =	vld [tilespmem:s23+$0xFFFFFFF0]  }
0x6a: {  	v6 =	vadd.f32 v2, v6;
	v16 =	vadd.f32 v22, v16;
	v17 =	vld [tilespmem:s31+$0x50];
	v7 =	vmul.f32 v15, v7  }
0x6b: {  	v10 =	vadd.f32 v10, v12;
	v3 =	vadd.f32 v3, v8;
	v2 =	vld [tilespmem:s31+$0x40];
	v20 =	vmul.f32 v23, v23;
	(xrf2) =	vadd.scan.msk.f32 $0xffff, v11  }
0x6c: {  	v12 =	vld [tilespmem:s23+$0x0];
	v4 =	vmul.f32 v23, v4  }
0x6d: {  	v8 =	vadd.f32 v9, v10;
	v9 =	vadd.f32 v18, v3;
	v21 =	vld [tilespmem:s31+$0x0]  }
0x6e: {  	v3 =	vld [tilespmem:s23+$0xFFFFFFD0];
	v4 =	vadd.f32 v7, v4;
	(xrf2) =	vadd.scan.msk.f32 $0xffff, v6  }
0x6f: {  	v6 =	vadd.f32 v9, v8;
	v18 =	vld [tilespmem:s31+$0x10];
	v7 =	vmul.f32 v17, v14  }
0x70: {  	v9 =	vmul.f32 v17, v17;
	v14 =	vld [tilespmem:s31+$0xFFFFFFF0];
	v8 =	vmul.f32 v2, v2  }
0x71: {  	v17 =	vld [tilespmem:s31+$0x20]  }
0x72: {  	v24 =	vld [tilespmem:s23+$0xFFFFFFB0];
	v26 =	vadd.f32 v9, v8;
	(xrf2) =	vadd.scan.msk.f32 $0xffff, v6  }
0x73: {  	v9 =	vld [tilespmem:s31+$0xFFFFFFD0]  }
0x74: {  	v8 =	vld [tilespmem:s31+$0xFFFFFFC0]  }
0x75: {  	v15 =	vmul.f32 v15, v15;
	v22 =	vld [tilespmem:s23+$0x20];
	(xrf2) =	vadd.scan.msk.f32 $0xffff, v16;
	v6, _, _ =	vpop (xrf2)  }
0x76: {  	v16 =	vmul.f32 v18, v18;
	v28 =	vld [tilespmem:s31+$0xFFFFFFB0];
	v6 =	vbroadcast v6, $0xF  }
0x77: {  	v30 =	vmul.f32 v14, v14;
	v11 =	vmul.f32 v17, v17;
	v23 =	vld [tilespmem:s31+$0xFFFFFFE0]  }
0x78: {  	v25 =	vmov s1;
	v27 =	vmul.f32 v21, v21;
	v31 =	vmul.f32 v9, v9;
	v34 =	vld [tilespmem:s31+$0x30];
	v32, _, _ =	vpop (xrf2)  }
0x79: {  	vm0 =	veq.s32 v25, v0;
	v21 =	vmul.f32 v21, v12;
	v35 =	vmul.f32 v14, v19;
	v10 =	vld [tilespmem:s31+$0xFFFFFF90]  }
0x7a: {  	v37 =	vadd.f32 v15, v20;
	v38 =	vmul.f32 v18, v29;
	v33 =	vmul.f32 v8, v8;
	v12 =	vld [tilespmem:s31+$0xFFFFFF80]  }
0x7b: {  	v14 =	vadd.f32 v16, v27;
	v15 =	vbroadcast v32, $0xF;
	v19 =	vmul.f32 v17, v22;
	v25 =	vld [tilespmem:s31+$0xFFFFFFA0]  }
.Ltmp0:
0x7c: {  	v16 =	vadd.f32 v38, v21;
	v29 =	vld [tilespmem:s23+$0xFFFFFFA0];
	v36 =	vmul.f32 v23, v36;
	v32 =	vmul.f32 v23, v23;
	v18, _, _ =	vpop (xrf2);
	(pc) =	sbr.rel @p0 .LBB2_3-.Ltmp0, $4  }
0x7d: {  	v27 =	vmul.f32 v28, v28;
	v22 =	vadd.f32 v31, v33;
	v33 =	vld [tilespmem:s23+$0x40];
	v23 =	vmul.f32 v34, v34  }
0x7e: {  	v17 =	vadd.f32 v37, v26;
	v31 =	vmul.f32 v28, v24;
	v26 =	vbroadcast v18, $0xF;
	v20 =	vld [tilespmem:s23+$0xFFFFFF80]  }
0x7f: {  	s25 =	sadd.s32 $0x1, s1;
	s1 =	smov.u32 s24;
	v34 =	vmul.f32 v34, v13;
	v32 =	vadd.f32 v30, v32;
	v21 =	vld [tilespmem:s23+$0xFFFFFF90];
	v24 =	vmul.f32 v12, v12;
	v30, _, _ =	vpop (xrf2)  }
0x80: {  	v13 =	vmov s25;
	v18 =	vadd.f32 v35, v36;
	v28 =	vld [tilespmem:s23+$0xFFFFFFC0];
	v35 =	vmul.f32 v25, v25;
	s23 =	sadd.s32 $0x100, s23  }
0x81: {  	v25 =	vmul.f32 v25, v29;
	v3 =	vmul.f32 v9, v3  }
0x82: {  	v50 =	vmul.f32 v10, v10;
	v19 =	vadd.f32 v34, v19;
	v51 =	vadd.f32 v32, v22  }
0x83: {  	v11 =	vadd.f32 v23, v11;
	v2 =	vmul.f32 v2, v33;
	v27 =	vadd.f32 v27, v35  }
0x84: {  	v49 =	vadd.f32 v31, v25;
	v52 =	vadd.f32 v50, v24;
	v12 =	vmul.f32 v12, v20  }
0x85: {  	v54 =	vadd.f32 v11, v14;
	v53 =	vmul.f32 v10, v21;
	v8 =	vmul.f32 v8, v28  }
0x86: {  	v55 =	vadd.f32 v19, v16;
	v2 =	vadd.f32 v7, v2  }
0x87: {  	v10 =	vadd.f32 v53, v12;
	v3 =	vadd.f32 v3, v8  }
0x88: {  	v2 =	vadd.f32 v4, v2;
	v4 =	vadd.f32 v17, v54  }
0x89: {  	v9 =	vadd.f32 v49, v10;
	v3 =	vadd.f32 v18, v3  }
0x8a: {  	v56 =	vadd.f32 v27, v52;
	v2 =	vadd.f32 v2, v55  }
0x8b: {  	(xrf2) =	vadd.scan.msk.f32 $0xffff, v4;
	v3 =	vadd.f32 v3, v9  }
0x8c: {  	v57 =	vadd.f32 v51, v56;
	(xrf2) =	vadd.scan.msk.f32 $0xffff, v2  }
0x8d: {  	(xrf2) =	vadd.scan.msk.f32 $0xffff, v3  }
0x8e: {  	(xrf2) =	vadd.scan.msk.f32 $0xffff, v57;
	_ =	sdelay $0x6  }
0x8f: {  	v1 =	vsel vm0, v26, v1;
	v3, _, _ =	vpop (xrf2)  }
0x90: {  	vm1 =	veq.s32 v13, v0;
	v59 =	vmov s1;
	v2 =	vbroadcast v30, $0xF;
	v58, _, _ =	vpop (xrf2)  }
0x91: {  	s31 =	sadd.s32 $0x1, s1;
	s30 =	sadd.s32 $0x1, s30;
	v1 =	vsel vm1, v15, v1;
	vm14 =	veq.s32 v59, v0;
	v60, _, _ =	vpop (xrf2)  }
0x92: {  	v63 =	vmov s31;
	p0 =	sne.s32 s30, $0x8;
	v2 =	vsel vm0, v2, v5;
	v61 =	vbroadcast v60, $0xF;
	v62, _, _ =	vpop (xrf2)  }
.Ltmp1:
0x93: {  	v2 =	vsel vm1, v6, v2;
	v4 =	vbroadcast v58, $0xF;
	v6 =	vbroadcast v62, $0xF;
	(pc) =	sbr.rel @p0 .LBB2_2-.Ltmp1, $4  }
0x94: {  	vm15 =	veq.s32 v63, v0;
	v3 =	vbroadcast v3, $0xF;
	v1 =	vsel vm14, v61, v1  }
0x95: {  	v1 =	vsel vm15, v4, v1;
	v2 =	vsel vm14, v6, v2  }
0x96: {  	v2 =	vsel vm15, v3, v2;
	[tilespmem:s0+$0x10200] =	vst v1  }
0x97: {  	s28 =	sadd.s32 $0x800, s28;
	s29 =	sadd.s32 $0x800, s29;
	[tilespmem:s0+$0x10400] =	vst v2  }
0x98: {  	_ =	swait.ge [sflag:s20], $0x4000  }
0x99: {  	[sflag:s20] =	ssyncset.done $0x0  }
0x9a: {  	[sflag:s20] =	ssyncadd.s32 $0xFFFFC000  }
0x9b: {  	_ =	swait.ge [sflag:s21], $0x4000  }
0x9c: {  	[sflag:s21] =	ssyncset.done $0x0  }
0x9d: {  	s28 =	simm.s32 $0x0;
	s0 =	simm.s32 $0x100;
	[sflag:s21] =	ssyncadd.s32 $0xFFFFC000  }
0x9e: {  	[tilespmem:s13], [sflag:$0x1] =	stream.linear.gather [hbm4b:s7+s28], $0x4000, $0x38;
	[tilespmem:$0x10600] =	vst v63  }
0x9f: {  	s29 =	simm.s32 $0x4280;
	s30 =	simm.s32 $0xC280;
	s31 =	simm.s32 $0x0  }
0xa0: {  	[tilespmem:s15], [sflag:$0x3] =	stream.indirect.gather [hbm4b:s2+s14], $0x80, s0, s14, $0xb8;
	[tilespmem:$0x10600] =	vst v63  }
.LBB2_6:
0xa1: {  	v1 =	vld [tilespmem:s29+$0xFFFFFFE0]  }
0xa2: {  	v2 =	vld [tilespmem:s29+$0x30]  }
0xa3: {  	v3 =	vld [tilespmem:s29+$0x10]  }
0xa4: {  	v4 =	vld [tilespmem:s30+$0x70]  }
0xa5: {  	v5 =	vld [tilespmem:s29+$0x70]  }
0xa6: {  	v6 =	vld [tilespmem:s30+$0x60]  }
0xa7: {  	v7 =	vld [tilespmem:s29+$0x60]  }
0xa8: {  	v8 =	vld [tilespmem:s29+$0x50]  }
0xa9: {  	v9 =	vld [tilespmem:s29+$0xFFFFFFF0]  }
0xaa: {  	v10 =	vld [tilespmem:s30+$0x50]  }
0xab: {  	v11 =	vld [tilespmem:s30+$0x40]  }
0xac: {  	v12 =	vld [tilespmem:s29+$0x0]  }
0xad: {  	v13 =	vld [tilespmem:s30+$0x0]  }
0xae: {  	v14 =	vld [tilespmem:s29+$0xFFFFFFD0]  }
0xaf: {  	v15 =	vld [tilespmem:s30+$0x10]  }
0xb0: {  	v16 =	vld [tilespmem:s30+$0xFFFFFFF0]  }
0xb1: {  	v17 =	vld [tilespmem:s30+$0x20]  }
0xb2: {  	v18 =	vld [tilespmem:s29+$0xFFFFFFB0]  }
0xb3: {  	v19 =	vld [tilespmem:s30+$0xFFFFFFD0]  }
0xb4: {  	v20 =	vld [tilespmem:s30+$0xFFFFFFC0]  }
0xb5: {  	v21 =	vld [tilespmem:s29+$0x20]  }
0xb6: {  	v22 =	vld [tilespmem:s30+$0xFFFFFFB0]  }
0xb7: {  	v23 =	vld [tilespmem:s30+$0xFFFFFFE0]  }
0xb8: {  	v24 =	vld [tilespmem:s30+$0x30]  }
0xb9: {  	v25 =	vld [tilespmem:s30+$0xFFFFFF90]  }
0xba: {  	v26 =	vld [tilespmem:s30+$0xFFFFFF80];
	v5 =	vmul.f32 v4, v5  }
0xbb: {  	v27 =	vld [tilespmem:s30+$0xFFFFFFA0];
	v28 =	vmul.f32 v6, v6;
	v6 =	vmul.f32 v6, v7  }
0xbc: {  	v29 =	vld [tilespmem:s29+$0xFFFFFFA0];
	v7 =	vmul.f32 v10, v8;
	v30 =	vmul.f32 v11, v11  }
0xbd: {  	v31 =	vld [tilespmem:s29+$0xFFFFFF80];
	v10 =	vmul.f32 v10, v10;
	v4 =	vmul.f32 v4, v4  }
0xbe: {  	v33 =	vld [tilespmem:s29+$0xFFFFFF90];
	v32 =	vmul.f32 v15, v15;
	v34 =	vmul.f32 v16, v16  }
0xbf: {  	v36 =	vld [tilespmem:s29+$0xFFFFFFC0];
	s0 =	sadd.s32 $0x100, s30;
	v35 =	vmul.f32 v17, v17;
	v9 =	vmul.f32 v16, v9  }
0xc0: {  	s24 =	sadd.s32 $0x100, s29;
	v57 =	vld [tilespmem:s0+$0x70];
	v12 =	vmul.f32 v13, v12;
	v3 =	vmul.f32 v15, v3  }
0xc1: {  	v58 =	vld [tilespmem:s24+$0x70];
	v15 =	vmul.f32 v24, v24;
	v17 =	vmul.f32 v17, v21  }
0xc2: {  	v8 =	vld [tilespmem:s29+$0x40];
	v21 =	vmul.f32 v20, v20;
	v1 =	vmul.f32 v23, v1  }
0xc3: {  	v61 =	vld [tilespmem:s0+$0x30];
	v18 =	vmul.f32 v22, v18;
	v2 =	vmul.f32 v24, v2;
	v5 =	vadd.f32 v5, v6  }
0xc4: {  	v16 =	vld [tilespmem:s24+$0xFFFFFFE0];
	v10 =	vadd.f32 v10, v30;
	v30 =	vmul.f32 v13, v13;
	v4 =	vadd.f32 v4, v28  }
0xc5: {  	v6 =	vmul.f32 v19, v19;
	v13 =	vld [tilespmem:s24+$0x30];
	v3 =	vadd.f32 v3, v12;
	v15 =	vadd.f32 v15, v35  }
0xc6: {  	v14 =	vmul.f32 v19, v14;
	v28 =	vld [tilespmem:s24+$0x10];
	v1 =	vadd.f32 v9, v1;
	v30 =	vadd.f32 v32, v30  }
0xc7: {  	v9 =	vmul.f32 v27, v29;
	v19 =	vld [tilespmem:s24+$0xFFFFFFF0];
	v6 =	vadd.f32 v6, v21;
	v8 =	vmul.f32 v11, v8  }
0xc8: {  	v12 =	vmul.f32 v23, v23;
	v29 =	vld [tilespmem:s24+$0xFFFFFFA0];
	v4 =	vadd.f32 v4, v10;
	v15 =	vadd.f32 v15, v30  }
0xc9: {  	v10 =	vld [tilespmem:s0+$0x60];
	v9 =	vadd.f32 v18, v9;
	v18 =	vmul.f32 v26, v31;
	v7 =	vadd.f32 v7, v8  }
0xca: {  	v21 =	vld [tilespmem:s24+$0x60];
	v8 =	vmul.f32 v20, v36;
	v20 =	vmul.f32 v25, v33;
	v4 =	vadd.f32 v4, v15  }
0xcb: {  	v12 =	vadd.f32 v34, v12;
	v31 =	vld [tilespmem:s0+$0xFFFFFFB0];
	v15 =	vadd.f32 v2, v17  }
0xcc: {  	v11 =	vld [tilespmem:s24+$0x50];
	v5 =	vadd.f32 v5, v7;
	v7 =	vmul.f32 v26, v26;
	v18 =	vadd.f32 v20, v18;
	(xrf2) =	vadd.scan.msk.f32 $0xffff, v4  }
0xcd: {  	v17 =	vld [tilespmem:s0+$0x50];
	v8 =	vadd.f32 v14, v8;
	v20 =	vmul.f32 v27, v27;
	v3 =	vadd.f32 v15, v3  }
0xce: {  	v2 =	vld [tilespmem:s0+$0x40];
	v4 =	vmul.f32 v22, v22;
	v22 =	vmul.f32 v25, v25;
	v9 =	vadd.f32 v9, v18  }
0xcf: {  	v14 =	vld [tilespmem:s0+$0x0];
	v23 =	vmul.f32 v10, v10;
	v1 =	vadd.f32 v1, v8;
	v5 =	vadd.f32 v5, v3  }
0xd0: {  	v10 =	vmul.f32 v10, v21;
	v21 =	vld [tilespmem:s24+$0xFFFFFFB0];
	v4 =	vadd.f32 v4, v20;
	v7 =	vadd.f32 v22, v7  }
0xd1: {  	v24 =	vmul.f32 v57, v57;
	v18 =	vld [tilespmem:s0+$0x10];
	v1 =	vadd.f32 v1, v9  }
0xd2: {  	v8 =	vld [tilespmem:s0+$0xFFFFFFC0];
	(xrf2) =	vadd.scan.msk.f32 $0xffff, v5;
	v5 =	vadd.f32 v12, v6;
	v4 =	vadd.f32 v4, v7  }
0xd3: {  	v34 =	vmul.f32 v61, v13;
	v24 =	vadd.f32 v24, v23;
	v20 =	vld [tilespmem:s0+$0xFFFFFFF0]  }
0xd4: {  	v23 =	vmul.f32 v61, v61;
	v22 =	vld [tilespmem:s0+$0x20];
	v6 =	vmul.f32 v57, v58;
	(xrf2) =	vadd.scan.msk.f32 $0xffff, v1;
	v4 =	vadd.f32 v5, v4  }
0xd5: {  	s25 =	simm.s32 $0x1;
	v15 =	vld [tilespmem:s24+$0x0];
	v7 =	vmul.f32 v17, v11;
	v11 =	vmul.f32 v2, v2  }
0xd6: {  	v13 =	vmov s25;
	v9 =	vld [tilespmem:s0+$0xFFFFFFD0];
	v12 =	vmul.f32 v17, v17;
	v27 =	vmul.f32 v14, v14;
	v25, _, _ =	vpop (xrf2);
	(xrf2) =	vadd.scan.msk.f32 $0xffff, v4  }
0xd7: {  	v17 =	vld [tilespmem:s24+$0x20];
	v1 =	vimm.f32 $0.0e+00;
	v26 =	vmul.f32 v18, v18;
	v63 =	vmul.f32 v8, v8  }
0xd8: {  	v59 =	vadd.f32 v12, v11;
	v12 =	vld [tilespmem:s0+$0xFFFFFF80];
	v18 =	vmul.f32 v18, v28;
	v30 =	vmul.f32 v20, v20  }
0xd9: {  	v5 =	vadd.f32 v6, v10;
	v11 =	vmul.f32 v22, v22;
	v62 =	vmul.f32 v20, v19;
	v4 =	vld [tilespmem:s0+$0xFFFFFFE0]  }
0xda: {  	v10 =	vmov s28;
	v20 =	vmul.f32 v14, v15;
	v6 =	vbroadcast v25, $0xF;
	v25 =	vld [tilespmem:s0+$0xFFFFFFA0]  }
0xdb: {  	v33 =	vld [tilespmem:s24+$0x40];
	v60 =	vmul.f32 v9, v9;
	v14 =	vadd.f32 v26, v27;
	v27 =	vmul.f32 v31, v31  }
0xdc: {  	v3 =	vld [tilespmem:s24+$0xFFFFFFD0];
	vm0 =	veq.s32 v10, v0;
	v31 =	vmul.f32 v31, v21;
	v19 =	vmul.f32 v22, v17;
	v15, _, _ =	vpop (xrf2)  }
0xdd: {  	v10 =	vld [tilespmem:s0+$0xFFFFFF90];
	v17 =	vadd.f32 v24, v59;
	v24 =	vmul.f32 v12, v12;
	v15 =	vbroadcast v15, $0xF  }
0xde: {  	v21 =	vld [tilespmem:s24+$0xFFFFFF90];
	v28 =	vmul.f32 v4, v16;
	v4 =	vmul.f32 v4, v4;
	v16 =	vadd.f32 v18, v20;
	v18, _, _ =	vpop (xrf2)  }
0xdf: {  	s1 =	sshll.u32 s31, $0x4;
	v22 =	vadd.f32 v60, v63;
	v20 =	vld [tilespmem:s24+$0xFFFFFF80];
	v26 =	vbroadcast v18, $0xF;
	v35 =	vmul.f32 v25, v25  }
0xe0: {  	s22 =	simm.s32 $0x2;
	s23 =	simm.s32 $0x4;
	v32 =	vadd.f32 v30, v4;
	v18 =	vadd.f32 v62, v28;
	v28 =	vld [tilespmem:s24+$0xFFFFFFC0];
	s24 =	sadd.s32 $0x100, s24;
	v4 =	vimm.f32 $0.0e+00;
	v30, _, _ =	vpop (xrf2)  }
.LBB2_7:
0xe1: {  	p0 =	slt.u32 s23, $0xE  }
0xe2: {  	v36 =	vld [tilespmem:s24+$0xFFFFFFE0];
	v25 =	vmul.f32 v25, v29;
	s0 =	sadd.s32 $0x100, s0;
	v1 =	vsel vm0, v26, v1;
	vm1 =	veq.s32 v13, v0;
	s25 =	smov.u32 s23;
	s23 =	sadd.s32 $0x2, s23  }
0xe3: {  	v13 =	vld [tilespmem:s24+$0x30];
	v26 =	vadd.f32 v27, v35;
	v2 =	vmul.f32 v2, v33;
	v27 =	vbroadcast v30, $0xF  }
0xe4: {  	v3 =	vmul.f32 v9, v3;
	v1 =	vsel vm1, v15, v1;
	v29 =	vld [tilespmem:s24+$0x10];
	v9 =	vadd.f32 v31, v25  }
0xe5: {  	v19 =	vadd.f32 v34, v19;
	v25 =	vmul.f32 v10, v10;
	v15 =	vld [tilespmem:s0+$0x70];
	v2 =	vadd.f32 v7, v2  }
0xe6: {  	v22 =	vadd.f32 v32, v22;
	v11 =	vadd.f32 v23, v11;
	v4 =	vsel vm0, v27, v4;
	v7 =	vld [tilespmem:s24+$0x70]  }
0xe7: {  	v24 =	vadd.f32 v25, v24;
	v4 =	vsel vm1, v6, v4;
	v23 =	vld [tilespmem:s0+$0x60];
	v2 =	vadd.f32 v5, v2  }
0xe8: {  	v11 =	vadd.f32 v11, v14;
	v6 =	vadd.f32 v19, v16;
	v5 =	vld [tilespmem:s24+$0x60]  }
0xe9: {  	v8 =	vmul.f32 v8, v28;
	v16 =	vadd.f32 v26, v24;
	v14 =	vld [tilespmem:s24+$0x50]  }
0xea: {  	v12 =	vmul.f32 v12, v20;
	v10 =	vmul.f32 v10, v21;
	v11 =	vadd.f32 v17, v11;
	v19 =	vld [tilespmem:s24+$0xFFFFFFF0]  }
0xeb: {  	v6 =	vadd.f32 v2, v6;
	v16 =	vadd.f32 v22, v16;
	v17 =	vld [tilespmem:s0+$0x50];
	v7 =	vmul.f32 v15, v7  }
0xec: {  	v10 =	vadd.f32 v10, v12;
	v3 =	vadd.f32 v3, v8;
	v2 =	vld [tilespmem:s0+$0x40];
	v20 =	vmul.f32 v23, v23;
	(xrf2) =	vadd.scan.msk.f32 $0xffff, v11  }
0xed: {  	v12 =	vld [tilespmem:s24+$0x0];
	v5 =	vmul.f32 v23, v5  }
0xee: {  	v8 =	vadd.f32 v9, v10;
	v9 =	vadd.f32 v18, v3;
	v21 =	vld [tilespmem:s0+$0x0]  }
0xef: {  	v3 =	vld [tilespmem:s24+$0xFFFFFFD0];
	v5 =	vadd.f32 v7, v5;
	(xrf2) =	vadd.scan.msk.f32 $0xffff, v6  }
0xf0: {  	v6 =	vadd.f32 v9, v8;
	v18 =	vld [tilespmem:s0+$0x10];
	v7 =	vmul.f32 v17, v14  }
0xf1: {  	v9 =	vmul.f32 v17, v17;
	v14 =	vld [tilespmem:s0+$0xFFFFFFF0];
	v8 =	vmul.f32 v2, v2  }
0xf2: {  	v17 =	vld [tilespmem:s0+$0x20]  }
0xf3: {  	v24 =	vld [tilespmem:s24+$0xFFFFFFB0];
	v26 =	vadd.f32 v9, v8;
	(xrf2) =	vadd.scan.msk.f32 $0xffff, v6  }
0xf4: {  	v9 =	vld [tilespmem:s0+$0xFFFFFFD0]  }
0xf5: {  	v8 =	vld [tilespmem:s0+$0xFFFFFFC0]  }
0xf6: {  	v15 =	vmul.f32 v15, v15;
	v22 =	vld [tilespmem:s24+$0x20];
	(xrf2) =	vadd.scan.msk.f32 $0xffff, v16;
	v6, _, _ =	vpop (xrf2)  }
0xf7: {  	v16 =	vmul.f32 v18, v18;
	v28 =	vld [tilespmem:s0+$0xFFFFFFB0];
	v6 =	vbroadcast v6, $0xF  }
0xf8: {  	v30 =	vmul.f32 v14, v14;
	v11 =	vmul.f32 v17, v17;
	v23 =	vld [tilespmem:s0+$0xFFFFFFE0]  }
0xf9: {  	v25 =	vmov s22;
	v27 =	vmul.f32 v21, v21;
	v31 =	vmul.f32 v9, v9;
	v34 =	vld [tilespmem:s0+$0x30];
	v32, _, _ =	vpop (xrf2)  }
0xfa: {  	vm0 =	veq.s32 v25, v0;
	v21 =	vmul.f32 v21, v12;
	v35 =	vmul.f32 v14, v19;
	v10 =	vld [tilespmem:s0+$0xFFFFFF90]  }
0xfb: {  	v37 =	vadd.f32 v15, v20;
	v38 =	vmul.f32 v18, v29;
	v33 =	vmul.f32 v8, v8;
	v12 =	vld [tilespmem:s0+$0xFFFFFF80]  }
0xfc: {  	v14 =	vadd.f32 v16, v27;
	v15 =	vbroadcast v32, $0xF;
	v19 =	vmul.f32 v17, v22;
	v25 =	vld [tilespmem:s0+$0xFFFFFFA0]  }
.Ltmp2:
0xfd: {  	v16 =	vadd.f32 v38, v21;
	v29 =	vld [tilespmem:s24+$0xFFFFFFA0];
	v36 =	vmul.f32 v23, v36;
	v32 =	vmul.f32 v23, v23;
	v18, _, _ =	vpop (xrf2);
	(pc) =	sbr.rel @p0 .LBB2_7-.Ltmp2, $4  }
0xfe: {  	v27 =	vmul.f32 v28, v28;
	v22 =	vadd.f32 v31, v33;
	v33 =	vld [tilespmem:s24+$0x40];
	v23 =	vmul.f32 v34, v34  }
0xff: {  	v17 =	vadd.f32 v37, v26;
	v31 =	vmul.f32 v28, v24;
	v26 =	vbroadcast v18, $0xF;
	v20 =	vld [tilespmem:s24+$0xFFFFFF80]  }
0x100: {  	s13 =	sadd.s32 $0x1, s22;
	s22 =	smov.u32 s25;
	v34 =	vmul.f32 v34, v13;
	v32 =	vadd.f32 v30, v32;
	v21 =	vld [tilespmem:s24+$0xFFFFFF90];
	v24 =	vmul.f32 v12, v12;
	v30, _, _ =	vpop (xrf2)  }
0x101: {  	v13 =	vmov s13;
	v18 =	vadd.f32 v35, v36;
	v28 =	vld [tilespmem:s24+$0xFFFFFFC0];
	v35 =	vmul.f32 v25, v25;
	s24 =	sadd.s32 $0x100, s24  }
0x102: {  	v25 =	vmul.f32 v25, v29;
	v3 =	vmul.f32 v9, v3  }
0x103: {  	v50 =	vmul.f32 v10, v10;
	v19 =	vadd.f32 v34, v19;
	v51 =	vadd.f32 v32, v22  }
0x104: {  	v11 =	vadd.f32 v23, v11;
	v2 =	vmul.f32 v2, v33;
	v27 =	vadd.f32 v27, v35  }
0x105: {  	v49 =	vadd.f32 v31, v25;
	v52 =	vadd.f32 v50, v24;
	v12 =	vmul.f32 v12, v20  }
0x106: {  	v54 =	vadd.f32 v11, v14;
	v53 =	vmul.f32 v10, v21;
	v8 =	vmul.f32 v8, v28  }
0x107: {  	v55 =	vadd.f32 v19, v16;
	v2 =	vadd.f32 v7, v2  }
0x108: {  	v10 =	vadd.f32 v53, v12;
	v3 =	vadd.f32 v3, v8  }
0x109: {  	v2 =	vadd.f32 v5, v2;
	v5 =	vadd.f32 v17, v54  }
0x10a: {  	v9 =	vadd.f32 v49, v10;
	v3 =	vadd.f32 v18, v3  }
0x10b: {  	v56 =	vadd.f32 v27, v52;
	v2 =	vadd.f32 v2, v55  }
0x10c: {  	(xrf2) =	vadd.scan.msk.f32 $0xffff, v5;
	v3 =	vadd.f32 v3, v9  }
0x10d: {  	v57 =	vadd.f32 v51, v56;
	(xrf2) =	vadd.scan.msk.f32 $0xffff, v2  }
0x10e: {  	(xrf2) =	vadd.scan.msk.f32 $0xffff, v3  }
0x10f: {  	(xrf2) =	vadd.scan.msk.f32 $0xffff, v57;
	_ =	sdelay $0x6  }
0x110: {  	v1 =	vsel vm0, v26, v1;
	v3, _, _ =	vpop (xrf2)  }
0x111: {  	vm1 =	veq.s32 v13, v0;
	v59 =	vmov s22;
	v2 =	vbroadcast v30, $0xF;
	v58, _, _ =	vpop (xrf2)  }
0x112: {  	s0 =	sadd.s32 $0x1, s22;
	s31 =	sadd.s32 $0x1, s31;
	v1 =	vsel vm1, v15, v1;
	vm14 =	veq.s32 v59, v0;
	v60, _, _ =	vpop (xrf2)  }
0x113: {  	v63 =	vmov s0;
	p0 =	sne.s32 s31, $0x8;
	v2 =	vsel vm0, v2, v4;
	v61 =	vbroadcast v60, $0xF;
	v62, _, _ =	vpop (xrf2)  }
.Ltmp3:
0x114: {  	v2 =	vsel vm1, v6, v2;
	v5 =	vbroadcast v58, $0xF;
	v6 =	vbroadcast v62, $0xF;
	(pc) =	sbr.rel @p0 .LBB2_6-.Ltmp3, $4  }
0x115: {  	vm15 =	veq.s32 v63, v0;
	v3 =	vbroadcast v3, $0xF;
	v1 =	vsel vm14, v61, v1  }
0x116: {  	v1 =	vsel vm15, v5, v1;
	v2 =	vsel vm14, v6, v2  }
0x117: {  	v2 =	vsel vm15, v3, v2;
	[tilespmem:s1+$0x10280] =	vst v1  }
0x118: {  	s29 =	sadd.s32 $0x800, s29;
	s30 =	sadd.s32 $0x800, s30;
	[tilespmem:s1+$0x10480] =	vst v2  }
0x119: {  	_ =	swait.ge [sflag:s16], $0x4000  }
0x11a: {  	[sflag:s16] =	ssyncset.done $0x0  }
0x11b: {  	[sflag:s16] =	ssyncadd.s32 $0xFFFFC000  }
0x11c: {  	_ =	swait.ge [sflag:s17], $0x4000  }
0x11d: {  	[sflag:s17] =	ssyncset.done $0x0  }
0x11e: {  	s28 =	simm.s32 $0x0;
	s0 =	simm.s32 $0x180;
	[sflag:s17] =	ssyncadd.s32 $0xFFFFC000  }
0x11f: {  	[tilespmem:s18], [sflag:$0x2] =	stream.linear.gather [hbm4b:s8+s28], $0x4000, $0x38;
	[tilespmem:$0x10600] =	vst v63  }
0x120: {  	s29 =	simm.s32 $0x280;
	s30 =	simm.s32 $0x8280;
	s31 =	simm.s32 $0x0  }
0x121: {  	[tilespmem:s19], [sflag:$0x4] =	stream.indirect.gather [hbm4b:s2+s14], $0x80, s0, s14, $0xb8;
	[tilespmem:$0x10600] =	vst v63  }
.LBB2_10:
0x122: {  	v1 =	vld [tilespmem:s29+$0xFFFFFFE0]  }
0x123: {  	v2 =	vld [tilespmem:s29+$0x30]  }
0x124: {  	v3 =	vld [tilespmem:s29+$0x10]  }
0x125: {  	v4 =	vld [tilespmem:s30+$0x70]  }
0x126: {  	v5 =	vld [tilespmem:s29+$0x70]  }
0x127: {  	v6 =	vld [tilespmem:s30+$0x60]  }
0x128: {  	v7 =	vld [tilespmem:s29+$0x60]  }
0x129: {  	v8 =	vld [tilespmem:s29+$0x50]  }
0x12a: {  	v9 =	vld [tilespmem:s29+$0xFFFFFFF0]  }
0x12b: {  	v10 =	vld [tilespmem:s30+$0x50]  }
0x12c: {  	v11 =	vld [tilespmem:s30+$0x40]  }
0x12d: {  	v12 =	vld [tilespmem:s29+$0x0]  }
0x12e: {  	v13 =	vld [tilespmem:s30+$0x0]  }
0x12f: {  	v14 =	vld [tilespmem:s29+$0xFFFFFFD0]  }
0x130: {  	v15 =	vld [tilespmem:s30+$0x10]  }
0x131: {  	v16 =	vld [tilespmem:s30+$0xFFFFFFF0]  }
0x132: {  	v17 =	vld [tilespmem:s30+$0x20]  }
0x133: {  	v18 =	vld [tilespmem:s29+$0xFFFFFFB0]  }
0x134: {  	v19 =	vld [tilespmem:s30+$0xFFFFFFD0]  }
0x135: {  	v20 =	vld [tilespmem:s30+$0xFFFFFFC0]  }
0x136: {  	v21 =	vld [tilespmem:s29+$0x20]  }
0x137: {  	v22 =	vld [tilespmem:s30+$0xFFFFFFB0]  }
0x138: {  	v23 =	vld [tilespmem:s30+$0xFFFFFFE0]  }
0x139: {  	v24 =	vld [tilespmem:s30+$0x30]  }
0x13a: {  	v25 =	vld [tilespmem:s30+$0xFFFFFF90]  }
0x13b: {  	v26 =	vld [tilespmem:s30+$0xFFFFFF80];
	v5 =	vmul.f32 v4, v5  }
0x13c: {  	v27 =	vld [tilespmem:s30+$0xFFFFFFA0];
	v28 =	vmul.f32 v6, v6;
	v6 =	vmul.f32 v6, v7  }
0x13d: {  	v29 =	vld [tilespmem:s29+$0xFFFFFFA0];
	v7 =	vmul.f32 v10, v8;
	v30 =	vmul.f32 v11, v11  }
0x13e: {  	v31 =	vld [tilespmem:s29+$0xFFFFFF80];
	v10 =	vmul.f32 v10, v10;
	v4 =	vmul.f32 v4, v4  }
0x13f: {  	v33 =	vld [tilespmem:s29+$0xFFFFFF90];
	v32 =	vmul.f32 v15, v15;
	v34 =	vmul.f32 v16, v16  }
0x140: {  	v36 =	vld [tilespmem:s29+$0xFFFFFFC0];
	s0 =	sadd.s32 $0x100, s30;
	v35 =	vmul.f32 v17, v17;
	v9 =	vmul.f32 v16, v9  }
0x141: {  	s24 =	sadd.s32 $0x100, s29;
	v57 =	vld [tilespmem:s0+$0x70];
	v12 =	vmul.f32 v13, v12;
	v3 =	vmul.f32 v15, v3  }
0x142: {  	v58 =	vld [tilespmem:s24+$0x70];
	v15 =	vmul.f32 v24, v24;
	v17 =	vmul.f32 v17, v21  }
0x143: {  	v8 =	vld [tilespmem:s29+$0x40];
	v21 =	vmul.f32 v20, v20;
	v1 =	vmul.f32 v23, v1  }
0x144: {  	v61 =	vld [tilespmem:s0+$0x30];
	v18 =	vmul.f32 v22, v18;
	v2 =	vmul.f32 v24, v2;
	v5 =	vadd.f32 v5, v6  }
0x145: {  	v16 =	vld [tilespmem:s24+$0xFFFFFFE0];
	v10 =	vadd.f32 v10, v30;
	v30 =	vmul.f32 v13, v13;
	v4 =	vadd.f32 v4, v28  }
0x146: {  	v6 =	vmul.f32 v19, v19;
	v13 =	vld [tilespmem:s24+$0x30];
	v3 =	vadd.f32 v3, v12;
	v15 =	vadd.f32 v15, v35  }
0x147: {  	v14 =	vmul.f32 v19, v14;
	v28 =	vld [tilespmem:s24+$0x10];
	v1 =	vadd.f32 v9, v1;
	v30 =	vadd.f32 v32, v30  }
0x148: {  	v9 =	vmul.f32 v27, v29;
	v19 =	vld [tilespmem:s24+$0xFFFFFFF0];
	v6 =	vadd.f32 v6, v21;
	v8 =	vmul.f32 v11, v8  }
0x149: {  	v12 =	vmul.f32 v23, v23;
	v29 =	vld [tilespmem:s24+$0xFFFFFFA0];
	v4 =	vadd.f32 v4, v10;
	v15 =	vadd.f32 v15, v30  }
0x14a: {  	v10 =	vld [tilespmem:s0+$0x60];
	v9 =	vadd.f32 v18, v9;
	v18 =	vmul.f32 v26, v31;
	v7 =	vadd.f32 v7, v8  }
0x14b: {  	v21 =	vld [tilespmem:s24+$0x60];
	v8 =	vmul.f32 v20, v36;
	v20 =	vmul.f32 v25, v33;
	v4 =	vadd.f32 v4, v15  }
0x14c: {  	v12 =	vadd.f32 v34, v12;
	v31 =	vld [tilespmem:s0+$0xFFFFFFB0];
	v15 =	vadd.f32 v2, v17  }
0x14d: {  	v11 =	vld [tilespmem:s24+$0x50];
	v5 =	vadd.f32 v5, v7;
	v7 =	vmul.f32 v26, v26;
	v18 =	vadd.f32 v20, v18;
	(xrf2) =	vadd.scan.msk.f32 $0xffff, v4  }
0x14e: {  	v17 =	vld [tilespmem:s0+$0x50];
	v8 =	vadd.f32 v14, v8;
	v20 =	vmul.f32 v27, v27;
	v3 =	vadd.f32 v15, v3  }
0x14f: {  	v2 =	vld [tilespmem:s0+$0x40];
	v4 =	vmul.f32 v22, v22;
	v22 =	vmul.f32 v25, v25;
	v9 =	vadd.f32 v9, v18  }
0x150: {  	v14 =	vld [tilespmem:s0+$0x0];
	v23 =	vmul.f32 v10, v10;
	v1 =	vadd.f32 v1, v8;
	v5 =	vadd.f32 v5, v3  }
0x151: {  	v10 =	vmul.f32 v10, v21;
	v21 =	vld [tilespmem:s24+$0xFFFFFFB0];
	v4 =	vadd.f32 v4, v20;
	v7 =	vadd.f32 v22, v7  }
0x152: {  	v24 =	vmul.f32 v57, v57;
	v18 =	vld [tilespmem:s0+$0x10];
	v1 =	vadd.f32 v1, v9  }
0x153: {  	v8 =	vld [tilespmem:s0+$0xFFFFFFC0];
	(xrf2) =	vadd.scan.msk.f32 $0xffff, v5;
	v5 =	vadd.f32 v12, v6;
	v4 =	vadd.f32 v4, v7  }
0x154: {  	v34 =	vmul.f32 v61, v13;
	v24 =	vadd.f32 v24, v23;
	v20 =	vld [tilespmem:s0+$0xFFFFFFF0]  }
0x155: {  	v23 =	vmul.f32 v61, v61;
	v22 =	vld [tilespmem:s0+$0x20];
	v6 =	vmul.f32 v57, v58;
	(xrf2) =	vadd.scan.msk.f32 $0xffff, v1;
	v4 =	vadd.f32 v5, v4  }
0x156: {  	s13 =	simm.s32 $0x1;
	v15 =	vld [tilespmem:s24+$0x0];
	v7 =	vmul.f32 v17, v11;
	v11 =	vmul.f32 v2, v2  }
0x157: {  	v13 =	vmov s13;
	v9 =	vld [tilespmem:s0+$0xFFFFFFD0];
	v12 =	vmul.f32 v17, v17;
	v27 =	vmul.f32 v14, v14;
	v25, _, _ =	vpop (xrf2);
	(xrf2) =	vadd.scan.msk.f32 $0xffff, v4  }
0x158: {  	v17 =	vld [tilespmem:s24+$0x20];
	v1 =	vimm.f32 $0.0e+00;
	v26 =	vmul.f32 v18, v18;
	v63 =	vmul.f32 v8, v8  }
0x159: {  	v59 =	vadd.f32 v12, v11;
	v12 =	vld [tilespmem:s0+$0xFFFFFF80];
	v18 =	vmul.f32 v18, v28;
	v30 =	vmul.f32 v20, v20  }
0x15a: {  	v5 =	vadd.f32 v6, v10;
	v11 =	vmul.f32 v22, v22;
	v62 =	vmul.f32 v20, v19;
	v4 =	vld [tilespmem:s0+$0xFFFFFFE0]  }
0x15b: {  	v10 =	vmov s28;
	v20 =	vmul.f32 v14, v15;
	v6 =	vbroadcast v25, $0xF;
	v25 =	vld [tilespmem:s0+$0xFFFFFFA0]  }
0x15c: {  	v33 =	vld [tilespmem:s24+$0x40];
	v60 =	vmul.f32 v9, v9;
	v14 =	vadd.f32 v26, v27;
	v27 =	vmul.f32 v31, v31  }
0x15d: {  	v3 =	vld [tilespmem:s24+$0xFFFFFFD0];
	vm0 =	veq.s32 v10, v0;
	v31 =	vmul.f32 v31, v21;
	v19 =	vmul.f32 v22, v17;
	v15, _, _ =	vpop (xrf2)  }
0x15e: {  	v10 =	vld [tilespmem:s0+$0xFFFFFF90];
	v17 =	vadd.f32 v24, v59;
	v24 =	vmul.f32 v12, v12;
	v15 =	vbroadcast v15, $0xF  }
0x15f: {  	v21 =	vld [tilespmem:s24+$0xFFFFFF90];
	v28 =	vmul.f32 v4, v16;
	v4 =	vmul.f32 v4, v4;
	v16 =	vadd.f32 v18, v20;
	v18, _, _ =	vpop (xrf2)  }
0x160: {  	s1 =	sshll.u32 s31, $0x4;
	v22 =	vadd.f32 v60, v63;
	v20 =	vld [tilespmem:s24+$0xFFFFFF80];
	v26 =	vbroadcast v18, $0xF;
	v35 =	vmul.f32 v25, v25  }
0x161: {  	s22 =	simm.s32 $0x2;
	s23 =	simm.s32 $0x4;
	v32 =	vadd.f32 v30, v4;
	v18 =	vadd.f32 v62, v28;
	v28 =	vld [tilespmem:s24+$0xFFFFFFC0];
	s24 =	sadd.s32 $0x100, s24;
	v4 =	vimm.f32 $0.0e+00;
	v30, _, _ =	vpop (xrf2)  }
.LBB2_11:
0x162: {  	p0 =	slt.u32 s23, $0xE  }
0x163: {  	v36 =	vld [tilespmem:s24+$0xFFFFFFE0];
	v25 =	vmul.f32 v25, v29;
	s0 =	sadd.s32 $0x100, s0;
	v1 =	vsel vm0, v26, v1;
	vm1 =	veq.s32 v13, v0;
	s25 =	smov.u32 s23;
	s23 =	sadd.s32 $0x2, s23  }
0x164: {  	v13 =	vld [tilespmem:s24+$0x30];
	v26 =	vadd.f32 v27, v35;
	v2 =	vmul.f32 v2, v33;
	v27 =	vbroadcast v30, $0xF  }
0x165: {  	v3 =	vmul.f32 v9, v3;
	v1 =	vsel vm1, v15, v1;
	v29 =	vld [tilespmem:s24+$0x10];
	v9 =	vadd.f32 v31, v25  }
0x166: {  	v19 =	vadd.f32 v34, v19;
	v25 =	vmul.f32 v10, v10;
	v15 =	vld [tilespmem:s0+$0x70];
	v2 =	vadd.f32 v7, v2  }
0x167: {  	v22 =	vadd.f32 v32, v22;
	v11 =	vadd.f32 v23, v11;
	v4 =	vsel vm0, v27, v4;
	v7 =	vld [tilespmem:s24+$0x70]  }
0x168: {  	v24 =	vadd.f32 v25, v24;
	v4 =	vsel vm1, v6, v4;
	v23 =	vld [tilespmem:s0+$0x60];
	v2 =	vadd.f32 v5, v2  }
0x169: {  	v11 =	vadd.f32 v11, v14;
	v6 =	vadd.f32 v19, v16;
	v5 =	vld [tilespmem:s24+$0x60]  }
0x16a: {  	v8 =	vmul.f32 v8, v28;
	v16 =	vadd.f32 v26, v24;
	v14 =	vld [tilespmem:s24+$0x50]  }
0x16b: {  	v12 =	vmul.f32 v12, v20;
	v10 =	vmul.f32 v10, v21;
	v11 =	vadd.f32 v17, v11;
	v19 =	vld [tilespmem:s24+$0xFFFFFFF0]  }
0x16c: {  	v6 =	vadd.f32 v2, v6;
	v16 =	vadd.f32 v22, v16;
	v17 =	vld [tilespmem:s0+$0x50];
	v7 =	vmul.f32 v15, v7  }
0x16d: {  	v10 =	vadd.f32 v10, v12;
	v3 =	vadd.f32 v3, v8;
	v2 =	vld [tilespmem:s0+$0x40];
	v20 =	vmul.f32 v23, v23;
	(xrf2) =	vadd.scan.msk.f32 $0xffff, v11  }
0x16e: {  	v12 =	vld [tilespmem:s24+$0x0];
	v5 =	vmul.f32 v23, v5  }
0x16f: {  	v8 =	vadd.f32 v9, v10;
	v9 =	vadd.f32 v18, v3;
	v21 =	vld [tilespmem:s0+$0x0]  }
0x170: {  	v3 =	vld [tilespmem:s24+$0xFFFFFFD0];
	v5 =	vadd.f32 v7, v5;
	(xrf2) =	vadd.scan.msk.f32 $0xffff, v6  }
0x171: {  	v6 =	vadd.f32 v9, v8;
	v18 =	vld [tilespmem:s0+$0x10];
	v7 =	vmul.f32 v17, v14  }
0x172: {  	v9 =	vmul.f32 v17, v17;
	v14 =	vld [tilespmem:s0+$0xFFFFFFF0];
	v8 =	vmul.f32 v2, v2  }
0x173: {  	v17 =	vld [tilespmem:s0+$0x20]  }
0x174: {  	v24 =	vld [tilespmem:s24+$0xFFFFFFB0];
	v26 =	vadd.f32 v9, v8;
	(xrf2) =	vadd.scan.msk.f32 $0xffff, v6  }
0x175: {  	v9 =	vld [tilespmem:s0+$0xFFFFFFD0]  }
0x176: {  	v8 =	vld [tilespmem:s0+$0xFFFFFFC0]  }
0x177: {  	v15 =	vmul.f32 v15, v15;
	v22 =	vld [tilespmem:s24+$0x20];
	(xrf2) =	vadd.scan.msk.f32 $0xffff, v16;
	v6, _, _ =	vpop (xrf2)  }
0x178: {  	v16 =	vmul.f32 v18, v18;
	v28 =	vld [tilespmem:s0+$0xFFFFFFB0];
	v6 =	vbroadcast v6, $0xF  }
0x179: {  	v30 =	vmul.f32 v14, v14;
	v11 =	vmul.f32 v17, v17;
	v23 =	vld [tilespmem:s0+$0xFFFFFFE0]  }
0x17a: {  	v25 =	vmov s22;
	v27 =	vmul.f32 v21, v21;
	v31 =	vmul.f32 v9, v9;
	v34 =	vld [tilespmem:s0+$0x30];
	v32, _, _ =	vpop (xrf2)  }
0x17b: {  	vm0 =	veq.s32 v25, v0;
	v21 =	vmul.f32 v21, v12;
	v35 =	vmul.f32 v14, v19;
	v10 =	vld [tilespmem:s0+$0xFFFFFF90]  }
0x17c: {  	v37 =	vadd.f32 v15, v20;
	v38 =	vmul.f32 v18, v29;
	v33 =	vmul.f32 v8, v8;
	v12 =	vld [tilespmem:s0+$0xFFFFFF80]  }
0x17d: {  	v14 =	vadd.f32 v16, v27;
	v15 =	vbroadcast v32, $0xF;
	v19 =	vmul.f32 v17, v22;
	v25 =	vld [tilespmem:s0+$0xFFFFFFA0]  }
.Ltmp4:
0x17e: {  	v16 =	vadd.f32 v38, v21;
	v29 =	vld [tilespmem:s24+$0xFFFFFFA0];
	v36 =	vmul.f32 v23, v36;
	v32 =	vmul.f32 v23, v23;
	v18, _, _ =	vpop (xrf2);
	(pc) =	sbr.rel @p0 .LBB2_11-.Ltmp4, $4  }
0x17f: {  	v27 =	vmul.f32 v28, v28;
	v22 =	vadd.f32 v31, v33;
	v33 =	vld [tilespmem:s24+$0x40];
	v23 =	vmul.f32 v34, v34  }
0x180: {  	v17 =	vadd.f32 v37, v26;
	v31 =	vmul.f32 v28, v24;
	v26 =	vbroadcast v18, $0xF;
	v20 =	vld [tilespmem:s24+$0xFFFFFF80]  }
0x181: {  	s13 =	sadd.s32 $0x1, s22;
	s22 =	smov.u32 s25;
	v34 =	vmul.f32 v34, v13;
	v32 =	vadd.f32 v30, v32;
	v21 =	vld [tilespmem:s24+$0xFFFFFF90];
	v24 =	vmul.f32 v12, v12;
	v30, _, _ =	vpop (xrf2)  }
0x182: {  	v13 =	vmov s13;
	v18 =	vadd.f32 v35, v36;
	v28 =	vld [tilespmem:s24+$0xFFFFFFC0];
	v35 =	vmul.f32 v25, v25;
	s24 =	sadd.s32 $0x100, s24  }
0x183: {  	v25 =	vmul.f32 v25, v29;
	v3 =	vmul.f32 v9, v3  }
0x184: {  	v50 =	vmul.f32 v10, v10;
	v19 =	vadd.f32 v34, v19;
	v51 =	vadd.f32 v32, v22  }
0x185: {  	v11 =	vadd.f32 v23, v11;
	v2 =	vmul.f32 v2, v33;
	v27 =	vadd.f32 v27, v35  }
0x186: {  	v49 =	vadd.f32 v31, v25;
	v52 =	vadd.f32 v50, v24;
	v12 =	vmul.f32 v12, v20  }
0x187: {  	v54 =	vadd.f32 v11, v14;
	v53 =	vmul.f32 v10, v21;
	v8 =	vmul.f32 v8, v28  }
0x188: {  	v55 =	vadd.f32 v19, v16;
	v2 =	vadd.f32 v7, v2  }
0x189: {  	v10 =	vadd.f32 v53, v12;
	v3 =	vadd.f32 v3, v8  }
0x18a: {  	v2 =	vadd.f32 v5, v2;
	v5 =	vadd.f32 v17, v54  }
0x18b: {  	v9 =	vadd.f32 v49, v10;
	v3 =	vadd.f32 v18, v3  }
0x18c: {  	v56 =	vadd.f32 v27, v52;
	v2 =	vadd.f32 v2, v55  }
0x18d: {  	(xrf2) =	vadd.scan.msk.f32 $0xffff, v5;
	v3 =	vadd.f32 v3, v9  }
0x18e: {  	v57 =	vadd.f32 v51, v56;
	(xrf2) =	vadd.scan.msk.f32 $0xffff, v2  }
0x18f: {  	(xrf2) =	vadd.scan.msk.f32 $0xffff, v3  }
0x190: {  	(xrf2) =	vadd.scan.msk.f32 $0xffff, v57;
	_ =	sdelay $0x6  }
0x191: {  	v1 =	vsel vm0, v26, v1;
	v3, _, _ =	vpop (xrf2)  }
0x192: {  	vm1 =	veq.s32 v13, v0;
	v59 =	vmov s22;
	v2 =	vbroadcast v30, $0xF;
	v58, _, _ =	vpop (xrf2)  }
0x193: {  	s0 =	sadd.s32 $0x1, s22;
	s31 =	sadd.s32 $0x1, s31;
	v1 =	vsel vm1, v15, v1;
	vm14 =	veq.s32 v59, v0;
	v60, _, _ =	vpop (xrf2)  }
0x194: {  	v63 =	vmov s0;
	p0 =	sne.s32 s31, $0x8;
	v2 =	vsel vm0, v2, v4;
	v61 =	vbroadcast v60, $0xF;
	v62, _, _ =	vpop (xrf2)  }
.Ltmp5:
0x195: {  	v2 =	vsel vm1, v6, v2;
	v5 =	vbroadcast v58, $0xF;
	v6 =	vbroadcast v62, $0xF;
	(pc) =	sbr.rel @p0 .LBB2_10-.Ltmp5, $4  }
0x196: {  	vm15 =	veq.s32 v63, v0;
	v3 =	vbroadcast v3, $0xF;
	v1 =	vsel vm14, v61, v1  }
0x197: {  	v1 =	vsel vm15, v5, v1;
	v2 =	vsel vm14, v6, v2  }
0x198: {  	v2 =	vsel vm15, v3, v2;
	[tilespmem:s1+$0x10300] =	vst v1  }
0x199: {  	s29 =	sadd.s32 $0x800, s29;
	s30 =	sadd.s32 $0x800, s30;
	[tilespmem:s1+$0x10500] =	vst v2  }
0x19a: {  	_ =	swait.ge [sflag:s20], $0x4000  }
0x19b: {  	[sflag:s20] =	ssyncset.done $0x0  }
0x19c: {  	[sflag:s20] =	ssyncadd.s32 $0xFFFFC000  }
0x19d: {  	_ =	swait.ge [sflag:s21], $0x4000  }
0x19e: {  	s28 =	simm.s32 $0x0;
	s29 =	simm.s32 $0x4280;
	[sflag:s21] =	ssyncset.done $0x0  }
0x19f: {  	s30 =	simm.s32 $0xC280;
	s31 =	simm.s32 $0x0;
	[sflag:s21] =	ssyncadd.s32 $0xFFFFC000  }
.LBB2_14:
0x1a0: {  	v1 =	vld [tilespmem:s29+$0xFFFFFFE0]  }
0x1a1: {  	v2 =	vld [tilespmem:s29+$0x30]  }
0x1a2: {  	v3 =	vld [tilespmem:s29+$0x10]  }
0x1a3: {  	v4 =	vld [tilespmem:s30+$0x70]  }
0x1a4: {  	v5 =	vld [tilespmem:s29+$0x70]  }
0x1a5: {  	v6 =	vld [tilespmem:s30+$0x60]  }
0x1a6: {  	v7 =	vld [tilespmem:s29+$0x60]  }
0x1a7: {  	v8 =	vld [tilespmem:s29+$0x50]  }
0x1a8: {  	v9 =	vld [tilespmem:s29+$0xFFFFFFF0]  }
0x1a9: {  	v10 =	vld [tilespmem:s30+$0x50]  }
0x1aa: {  	v11 =	vld [tilespmem:s30+$0x40]  }
0x1ab: {  	v12 =	vld [tilespmem:s29+$0x0]  }
0x1ac: {  	v13 =	vld [tilespmem:s30+$0x0]  }
0x1ad: {  	v14 =	vld [tilespmem:s29+$0xFFFFFFD0]  }
0x1ae: {  	v15 =	vld [tilespmem:s30+$0x10]  }
0x1af: {  	v16 =	vld [tilespmem:s30+$0xFFFFFFF0]  }
0x1b0: {  	v17 =	vld [tilespmem:s30+$0x20]  }
0x1b1: {  	v18 =	vld [tilespmem:s29+$0xFFFFFFB0]  }
0x1b2: {  	v19 =	vld [tilespmem:s30+$0xFFFFFFD0]  }
0x1b3: {  	v20 =	vld [tilespmem:s30+$0xFFFFFFC0]  }
0x1b4: {  	v21 =	vld [tilespmem:s29+$0x20]  }
0x1b5: {  	v22 =	vld [tilespmem:s30+$0xFFFFFFB0]  }
0x1b6: {  	v23 =	vld [tilespmem:s30+$0xFFFFFFE0]  }
0x1b7: {  	v24 =	vld [tilespmem:s30+$0x30]  }
0x1b8: {  	v25 =	vld [tilespmem:s30+$0xFFFFFF90]  }
0x1b9: {  	v26 =	vld [tilespmem:s30+$0xFFFFFF80];
	v5 =	vmul.f32 v4, v5  }
0x1ba: {  	v27 =	vld [tilespmem:s30+$0xFFFFFFA0];
	v28 =	vmul.f32 v6, v6;
	v6 =	vmul.f32 v6, v7  }
0x1bb: {  	v29 =	vld [tilespmem:s29+$0xFFFFFFA0];
	v7 =	vmul.f32 v10, v8;
	v30 =	vmul.f32 v11, v11  }
0x1bc: {  	v31 =	vld [tilespmem:s29+$0xFFFFFF80];
	v10 =	vmul.f32 v10, v10;
	v4 =	vmul.f32 v4, v4  }
0x1bd: {  	v33 =	vld [tilespmem:s29+$0xFFFFFF90];
	v32 =	vmul.f32 v15, v15;
	v34 =	vmul.f32 v16, v16  }
0x1be: {  	v36 =	vld [tilespmem:s29+$0xFFFFFFC0];
	s0 =	sadd.s32 $0x100, s30;
	v35 =	vmul.f32 v17, v17;
	v9 =	vmul.f32 v16, v9  }
0x1bf: {  	s24 =	sadd.s32 $0x100, s29;
	v57 =	vld [tilespmem:s0+$0x70];
	v12 =	vmul.f32 v13, v12;
	v3 =	vmul.f32 v15, v3  }
0x1c0: {  	v58 =	vld [tilespmem:s24+$0x70];
	v15 =	vmul.f32 v24, v24;
	v17 =	vmul.f32 v17, v21  }
0x1c1: {  	v8 =	vld [tilespmem:s29+$0x40];
	v21 =	vmul.f32 v20, v20;
	v1 =	vmul.f32 v23, v1  }
0x1c2: {  	v61 =	vld [tilespmem:s0+$0x30];
	v18 =	vmul.f32 v22, v18;
	v2 =	vmul.f32 v24, v2;
	v5 =	vadd.f32 v5, v6  }
0x1c3: {  	v16 =	vld [tilespmem:s24+$0xFFFFFFE0];
	v10 =	vadd.f32 v10, v30;
	v30 =	vmul.f32 v13, v13;
	v4 =	vadd.f32 v4, v28  }
0x1c4: {  	v6 =	vmul.f32 v19, v19;
	v13 =	vld [tilespmem:s24+$0x30];
	v3 =	vadd.f32 v3, v12;
	v15 =	vadd.f32 v15, v35  }
0x1c5: {  	v14 =	vmul.f32 v19, v14;
	v28 =	vld [tilespmem:s24+$0x10];
	v1 =	vadd.f32 v9, v1;
	v30 =	vadd.f32 v32, v30  }
0x1c6: {  	v9 =	vmul.f32 v27, v29;
	v19 =	vld [tilespmem:s24+$0xFFFFFFF0];
	v6 =	vadd.f32 v6, v21;
	v8 =	vmul.f32 v11, v8  }
0x1c7: {  	v12 =	vmul.f32 v23, v23;
	v29 =	vld [tilespmem:s24+$0xFFFFFFA0];
	v4 =	vadd.f32 v4, v10;
	v15 =	vadd.f32 v15, v30  }
0x1c8: {  	v10 =	vld [tilespmem:s0+$0x60];
	v9 =	vadd.f32 v18, v9;
	v18 =	vmul.f32 v26, v31;
	v7 =	vadd.f32 v7, v8  }
0x1c9: {  	v21 =	vld [tilespmem:s24+$0x60];
	v8 =	vmul.f32 v20, v36;
	v20 =	vmul.f32 v25, v33;
	v4 =	vadd.f32 v4, v15  }
0x1ca: {  	v12 =	vadd.f32 v34, v12;
	v31 =	vld [tilespmem:s0+$0xFFFFFFB0];
	v15 =	vadd.f32 v2, v17  }
0x1cb: {  	v11 =	vld [tilespmem:s24+$0x50];
	v5 =	vadd.f32 v5, v7;
	v7 =	vmul.f32 v26, v26;
	v18 =	vadd.f32 v20, v18;
	(xrf2) =	vadd.scan.msk.f32 $0xffff, v4  }
0x1cc: {  	v17 =	vld [tilespmem:s0+$0x50];
	v8 =	vadd.f32 v14, v8;
	v20 =	vmul.f32 v27, v27;
	v3 =	vadd.f32 v15, v3  }
0x1cd: {  	v2 =	vld [tilespmem:s0+$0x40];
	v4 =	vmul.f32 v22, v22;
	v22 =	vmul.f32 v25, v25;
	v9 =	vadd.f32 v9, v18  }
0x1ce: {  	v14 =	vld [tilespmem:s0+$0x0];
	v23 =	vmul.f32 v10, v10;
	v1 =	vadd.f32 v1, v8;
	v5 =	vadd.f32 v5, v3  }
0x1cf: {  	v10 =	vmul.f32 v10, v21;
	v21 =	vld [tilespmem:s24+$0xFFFFFFB0];
	v4 =	vadd.f32 v4, v20;
	v7 =	vadd.f32 v22, v7  }
0x1d0: {  	v24 =	vmul.f32 v57, v57;
	v18 =	vld [tilespmem:s0+$0x10];
	v1 =	vadd.f32 v1, v9  }
0x1d1: {  	v8 =	vld [tilespmem:s0+$0xFFFFFFC0];
	(xrf2) =	vadd.scan.msk.f32 $0xffff, v5;
	v5 =	vadd.f32 v12, v6;
	v4 =	vadd.f32 v4, v7  }
0x1d2: {  	v34 =	vmul.f32 v61, v13;
	v24 =	vadd.f32 v24, v23;
	v20 =	vld [tilespmem:s0+$0xFFFFFFF0]  }
0x1d3: {  	v23 =	vmul.f32 v61, v61;
	v22 =	vld [tilespmem:s0+$0x20];
	v6 =	vmul.f32 v57, v58;
	(xrf2) =	vadd.scan.msk.f32 $0xffff, v1;
	v4 =	vadd.f32 v5, v4  }
0x1d4: {  	s13 =	simm.s32 $0x1;
	v15 =	vld [tilespmem:s24+$0x0];
	v7 =	vmul.f32 v17, v11;
	v11 =	vmul.f32 v2, v2  }
0x1d5: {  	v13 =	vmov s13;
	v9 =	vld [tilespmem:s0+$0xFFFFFFD0];
	v12 =	vmul.f32 v17, v17;
	v27 =	vmul.f32 v14, v14;
	v25, _, _ =	vpop (xrf2);
	(xrf2) =	vadd.scan.msk.f32 $0xffff, v4  }
0x1d6: {  	v17 =	vld [tilespmem:s24+$0x20];
	v1 =	vimm.f32 $0.0e+00;
	v26 =	vmul.f32 v18, v18;
	v63 =	vmul.f32 v8, v8  }
0x1d7: {  	v59 =	vadd.f32 v12, v11;
	v12 =	vld [tilespmem:s0+$0xFFFFFF80];
	v18 =	vmul.f32 v18, v28;
	v30 =	vmul.f32 v20, v20  }
0x1d8: {  	v5 =	vadd.f32 v6, v10;
	v11 =	vmul.f32 v22, v22;
	v62 =	vmul.f32 v20, v19;
	v4 =	vld [tilespmem:s0+$0xFFFFFFE0]  }
0x1d9: {  	v10 =	vmov s28;
	v20 =	vmul.f32 v14, v15;
	v6 =	vbroadcast v25, $0xF;
	v25 =	vld [tilespmem:s0+$0xFFFFFFA0]  }
0x1da: {  	v33 =	vld [tilespmem:s24+$0x40];
	v60 =	vmul.f32 v9, v9;
	v14 =	vadd.f32 v26, v27;
	v27 =	vmul.f32 v31, v31  }
0x1db: {  	v3 =	vld [tilespmem:s24+$0xFFFFFFD0];
	vm0 =	veq.s32 v10, v0;
	v31 =	vmul.f32 v31, v21;
	v19 =	vmul.f32 v22, v17;
	v15, _, _ =	vpop (xrf2)  }
0x1dc: {  	v10 =	vld [tilespmem:s0+$0xFFFFFF90];
	v17 =	vadd.f32 v24, v59;
	v24 =	vmul.f32 v12, v12;
	v15 =	vbroadcast v15, $0xF  }
0x1dd: {  	v21 =	vld [tilespmem:s24+$0xFFFFFF90];
	v28 =	vmul.f32 v4, v16;
	v4 =	vmul.f32 v4, v4;
	v16 =	vadd.f32 v18, v20;
	v18, _, _ =	vpop (xrf2)  }
0x1de: {  	s1 =	sshll.u32 s31, $0x4;
	v22 =	vadd.f32 v60, v63;
	v20 =	vld [tilespmem:s24+$0xFFFFFF80];
	v26 =	vbroadcast v18, $0xF;
	v35 =	vmul.f32 v25, v25  }
0x1df: {  	s22 =	simm.s32 $0x2;
	s23 =	simm.s32 $0x4;
	v32 =	vadd.f32 v30, v4;
	v18 =	vadd.f32 v62, v28;
	v28 =	vld [tilespmem:s24+$0xFFFFFFC0];
	s24 =	sadd.s32 $0x100, s24;
	v4 =	vimm.f32 $0.0e+00;
	v30, _, _ =	vpop (xrf2)  }
.LBB2_15:
0x1e0: {  	p0 =	slt.u32 s23, $0xE  }
0x1e1: {  	v36 =	vld [tilespmem:s24+$0xFFFFFFE0];
	v25 =	vmul.f32 v25, v29;
	s0 =	sadd.s32 $0x100, s0;
	v1 =	vsel vm0, v26, v1;
	vm1 =	veq.s32 v13, v0;
	s25 =	smov.u32 s23;
	s23 =	sadd.s32 $0x2, s23  }
0x1e2: {  	v13 =	vld [tilespmem:s24+$0x30];
	v26 =	vadd.f32 v27, v35;
	v2 =	vmul.f32 v2, v33;
	v27 =	vbroadcast v30, $0xF  }
0x1e3: {  	v3 =	vmul.f32 v9, v3;
	v1 =	vsel vm1, v15, v1;
	v29 =	vld [tilespmem:s24+$0x10];
	v9 =	vadd.f32 v31, v25  }
0x1e4: {  	v19 =	vadd.f32 v34, v19;
	v25 =	vmul.f32 v10, v10;
	v15 =	vld [tilespmem:s0+$0x70];
	v2 =	vadd.f32 v7, v2  }
0x1e5: {  	v22 =	vadd.f32 v32, v22;
	v11 =	vadd.f32 v23, v11;
	v4 =	vsel vm0, v27, v4;
	v7 =	vld [tilespmem:s24+$0x70]  }
0x1e6: {  	v24 =	vadd.f32 v25, v24;
	v4 =	vsel vm1, v6, v4;
	v23 =	vld [tilespmem:s0+$0x60];
	v2 =	vadd.f32 v5, v2  }
0x1e7: {  	v11 =	vadd.f32 v11, v14;
	v6 =	vadd.f32 v19, v16;
	v5 =	vld [tilespmem:s24+$0x60]  }
0x1e8: {  	v8 =	vmul.f32 v8, v28;
	v16 =	vadd.f32 v26, v24;
	v14 =	vld [tilespmem:s24+$0x50]  }
0x1e9: {  	v12 =	vmul.f32 v12, v20;
	v10 =	vmul.f32 v10, v21;
	v11 =	vadd.f32 v17, v11;
	v19 =	vld [tilespmem:s24+$0xFFFFFFF0]  }
0x1ea: {  	v6 =	vadd.f32 v2, v6;
	v16 =	vadd.f32 v22, v16;
	v17 =	vld [tilespmem:s0+$0x50];
	v7 =	vmul.f32 v15, v7  }
0x1eb: {  	v10 =	vadd.f32 v10, v12;
	v3 =	vadd.f32 v3, v8;
	v2 =	vld [tilespmem:s0+$0x40];
	v20 =	vmul.f32 v23, v23;
	(xrf2) =	vadd.scan.msk.f32 $0xffff, v11  }
0x1ec: {  	v12 =	vld [tilespmem:s24+$0x0];
	v5 =	vmul.f32 v23, v5  }
0x1ed: {  	v8 =	vadd.f32 v9, v10;
	v9 =	vadd.f32 v18, v3;
	v21 =	vld [tilespmem:s0+$0x0]  }
0x1ee: {  	v3 =	vld [tilespmem:s24+$0xFFFFFFD0];
	v5 =	vadd.f32 v7, v5;
	(xrf2) =	vadd.scan.msk.f32 $0xffff, v6  }
0x1ef: {  	v6 =	vadd.f32 v9, v8;
	v18 =	vld [tilespmem:s0+$0x10];
	v7 =	vmul.f32 v17, v14  }
0x1f0: {  	v9 =	vmul.f32 v17, v17;
	v14 =	vld [tilespmem:s0+$0xFFFFFFF0];
	v8 =	vmul.f32 v2, v2  }
0x1f1: {  	v17 =	vld [tilespmem:s0+$0x20]  }
0x1f2: {  	v24 =	vld [tilespmem:s24+$0xFFFFFFB0];
	v26 =	vadd.f32 v9, v8;
	(xrf2) =	vadd.scan.msk.f32 $0xffff, v6  }
0x1f3: {  	v9 =	vld [tilespmem:s0+$0xFFFFFFD0]  }
0x1f4: {  	v8 =	vld [tilespmem:s0+$0xFFFFFFC0]  }
0x1f5: {  	v15 =	vmul.f32 v15, v15;
	v22 =	vld [tilespmem:s24+$0x20];
	(xrf2) =	vadd.scan.msk.f32 $0xffff, v16;
	v6, _, _ =	vpop (xrf2)  }
0x1f6: {  	v16 =	vmul.f32 v18, v18;
	v28 =	vld [tilespmem:s0+$0xFFFFFFB0];
	v6 =	vbroadcast v6, $0xF  }
0x1f7: {  	v30 =	vmul.f32 v14, v14;
	v11 =	vmul.f32 v17, v17;
	v23 =	vld [tilespmem:s0+$0xFFFFFFE0]  }
0x1f8: {  	v25 =	vmov s22;
	v27 =	vmul.f32 v21, v21;
	v31 =	vmul.f32 v9, v9;
	v34 =	vld [tilespmem:s0+$0x30];
	v32, _, _ =	vpop (xrf2)  }
0x1f9: {  	vm0 =	veq.s32 v25, v0;
	v21 =	vmul.f32 v21, v12;
	v35 =	vmul.f32 v14, v19;
	v10 =	vld [tilespmem:s0+$0xFFFFFF90]  }
0x1fa: {  	v37 =	vadd.f32 v15, v20;
	v38 =	vmul.f32 v18, v29;
	v33 =	vmul.f32 v8, v8;
	v12 =	vld [tilespmem:s0+$0xFFFFFF80]  }
0x1fb: {  	v14 =	vadd.f32 v16, v27;
	v15 =	vbroadcast v32, $0xF;
	v19 =	vmul.f32 v17, v22;
	v25 =	vld [tilespmem:s0+$0xFFFFFFA0]  }
.Ltmp6:
0x1fc: {  	v16 =	vadd.f32 v38, v21;
	v29 =	vld [tilespmem:s24+$0xFFFFFFA0];
	v36 =	vmul.f32 v23, v36;
	v32 =	vmul.f32 v23, v23;
	v18, _, _ =	vpop (xrf2);
	(pc) =	sbr.rel @p0 .LBB2_15-.Ltmp6, $4  }
0x1fd: {  	v27 =	vmul.f32 v28, v28;
	v22 =	vadd.f32 v31, v33;
	v33 =	vld [tilespmem:s24+$0x40];
	v23 =	vmul.f32 v34, v34  }
0x1fe: {  	v17 =	vadd.f32 v37, v26;
	v31 =	vmul.f32 v28, v24;
	v26 =	vbroadcast v18, $0xF;
	v20 =	vld [tilespmem:s24+$0xFFFFFF80]  }
0x1ff: {  	s13 =	sadd.s32 $0x1, s22;
	s22 =	smov.u32 s25;
	v34 =	vmul.f32 v34, v13;
	v32 =	vadd.f32 v30, v32;
	v21 =	vld [tilespmem:s24+$0xFFFFFF90];
	v24 =	vmul.f32 v12, v12;
	v30, _, _ =	vpop (xrf2)  }
0x200: {  	v13 =	vmov s13;
	v18 =	vadd.f32 v35, v36;
	v28 =	vld [tilespmem:s24+$0xFFFFFFC0];
	v35 =	vmul.f32 v25, v25;
	s24 =	sadd.s32 $0x100, s24  }
0x201: {  	v25 =	vmul.f32 v25, v29;
	v3 =	vmul.f32 v9, v3  }
0x202: {  	v50 =	vmul.f32 v10, v10;
	v19 =	vadd.f32 v34, v19;
	v51 =	vadd.f32 v32, v22  }
0x203: {  	v11 =	vadd.f32 v23, v11;
	v2 =	vmul.f32 v2, v33;
	v27 =	vadd.f32 v27, v35  }
0x204: {  	v49 =	vadd.f32 v31, v25;
	v52 =	vadd.f32 v50, v24;
	v12 =	vmul.f32 v12, v20  }
0x205: {  	v54 =	vadd.f32 v11, v14;
	v53 =	vmul.f32 v10, v21;
	v8 =	vmul.f32 v8, v28  }
0x206: {  	v55 =	vadd.f32 v19, v16;
	v2 =	vadd.f32 v7, v2  }
0x207: {  	v10 =	vadd.f32 v53, v12;
	v3 =	vadd.f32 v3, v8  }
0x208: {  	v2 =	vadd.f32 v5, v2;
	v5 =	vadd.f32 v17, v54  }
0x209: {  	v9 =	vadd.f32 v49, v10;
	v3 =	vadd.f32 v18, v3  }
0x20a: {  	v56 =	vadd.f32 v27, v52;
	v2 =	vadd.f32 v2, v55  }
0x20b: {  	(xrf2) =	vadd.scan.msk.f32 $0xffff, v5;
	v3 =	vadd.f32 v3, v9  }
0x20c: {  	v57 =	vadd.f32 v51, v56;
	(xrf2) =	vadd.scan.msk.f32 $0xffff, v2  }
0x20d: {  	(xrf2) =	vadd.scan.msk.f32 $0xffff, v3  }
0x20e: {  	(xrf2) =	vadd.scan.msk.f32 $0xffff, v57;
	_ =	sdelay $0x6  }
0x20f: {  	v1 =	vsel vm0, v26, v1;
	v3, _, _ =	vpop (xrf2)  }
0x210: {  	vm1 =	veq.s32 v13, v0;
	v59 =	vmov s22;
	v2 =	vbroadcast v30, $0xF;
	v58, _, _ =	vpop (xrf2)  }
0x211: {  	s0 =	sadd.s32 $0x1, s22;
	s31 =	sadd.s32 $0x1, s31;
	v1 =	vsel vm1, v15, v1;
	vm14 =	veq.s32 v59, v0;
	v60, _, _ =	vpop (xrf2)  }
0x212: {  	v63 =	vmov s0;
	p0 =	sne.s32 s31, $0x8;
	v2 =	vsel vm0, v2, v4;
	v61 =	vbroadcast v60, $0xF;
	v62, _, _ =	vpop (xrf2)  }
.Ltmp7:
0x213: {  	v2 =	vsel vm1, v6, v2;
	v5 =	vbroadcast v58, $0xF;
	v6 =	vbroadcast v62, $0xF;
	(pc) =	sbr.rel @p0 .LBB2_14-.Ltmp7, $4  }
0x214: {  	vm15 =	veq.s32 v63, v0;
	v3 =	vbroadcast v3, $0xF;
	v1 =	vsel vm14, v61, v1  }
0x215: {  	v1 =	vsel vm15, v5, v1;
	v2 =	vsel vm14, v6, v2  }
0x216: {  	v2 =	vsel vm15, v3, v2;
	[tilespmem:s1+$0x10380] =	vst v1  }
0x217: {  	s29 =	sadd.s32 $0x800, s29;
	s30 =	sadd.s32 $0x800, s30;
	[tilespmem:s1+$0x10580] =	vst v2  }
0x218: {  	s0 =	simm.s32 $0x10200  }
0x219: {  	[hbm4b:s9+s3] =	stream.linear.scatter [tilespmem:s0], [sflag:$0x5], $0x200, $0x38;
	[tilespmem:$0x10600] =	vst v63  }
0x21a: {  	s26 =	sadd.s32 $0x1, s26;
	_ =	swait.ge [sflag:s12], $0x200  }
0x21b: {  	p0 =	sne.s32 s26, s11;
	[sflag:s12] =	ssyncset.done $0x0  }
.Ltmp8:
0x21c: {  	s31 =	simm.s32 $0x10400;
	[sflag:s12] =	ssyncadd.s32 $0xFFFFFE00;
	(pc) =	sbr.rel @p0 .LBB2_1-.Ltmp8, $4  }
0x21d: {  	[hbm4b:s10+s3] =	stream.linear.scatter [tilespmem:s31], [sflag:$0x5], $0x200, $0x38;
	[tilespmem:$0x10600] =	vst v63  }
0x21e: {  	_ =	swait.ge [sflag:s12], $0x200  }
0x21f: {  	[sflag:s12] =	ssyncset.done $0x0  }
0x220: {  	s13 =	simm.s32 $0x200;
	[sflag:s12] =	ssyncadd.s32 $0xFFFFFE00  }
0x221: {  	_ =	sfence.sel $0x180000  }
0x222: {  	[bflag:$0x0] =	sbarrier.arrive $0xFFFF  }
0x223: {  	_ =	strace $0x90000047  }
0x224: {  	s0 =	stileid.u32;
	[bflag:$0x2] =	sbarrier.arrive $0xFFFF  }
0x225: {  	p0 =	sne.s32 s0, $0x0;
	s0 =	rddreg [dreg:$0x4]  }
0x226: {  	s0 =	sadd.s32 @!p0 $0x100000, s0  }
0x227: {  	[sflag:s0] =	ssyncadd.tile.s32 @!p0 $0x1;
	_ =	shalt  }
.Lfunc_end2:
_tile_overlayer_lowered:
.L_overlay_start_2:
0x228: {  	(tag) =	ssettag $0x2  }
0x229: {  	s0 =	rddreg [dreg:$0x0];
	s2 =	stileid.u32  }
0x22a: {  	s1 =	rddreg [dreg:$0x1];
	p0 =	sne.s32 s2, $0x0  }
0x22b: {  	s3 =	rddreg [dreg:$0x2];
	[bflag:$0x3] =	sbarrier.arrive $0xFFFF;
	s2 =	simm.s32 @!p0 $0x1C05  }
0x22c: {  	[timem:s3], [sflag:s2] =	dma.local @!p0 [hbm:s0], s1  }
0x22d: {  	s0 =	simm.s32 @!p0 $0x5  }
0x22e: {  	_ =	swait.ge @!p0 [sflag:s0], s1  }
0x22f: {  	s1 =	ssub.s32 @!p0 $0x0, s1;
	[sflag:s0] =	ssyncset.done @!p0 $0x0  }
0x230: {  	[sflag:s0] =	ssyncadd.s32 @!p0 s1  }
0x231: {  	[bflag:$0x3] =	sbarrier.arrive $0xFFFF  }
0x232: {  	_ =	shalt  }

</sc_bundles>
